<compile_context>
chip_gen: v7x
topology: tpu7x:2x2x1
jax: 0.10.2.dev20260603
libtpu: 0.0.44.dev20260713+nightly
codegen_flags: <defaults>
</compile_context>

<pallas_src>
import functools

import jax
import jax.numpy as jnp
from jax import lax
from jax.experimental import pallas as pl
from jax.experimental.pallas import tpu as pltpu
from jax.experimental.pallas import tpu_sc as plsc

N_ATOMS = 100000
D = 128
H = 64
NSEG = 2048
ZV = 100

B = 4096
G = (N_ATOMS + B - 1) // B
NPAD = G * B

NT = 16
CH = NPAD // NT
SEGS_PER_TILE = NSEG // NT
SENT = NSEG
PADSEG = NSEG - 1

_CT = (((0,), (0,)), ((), ()))


def _silu(v):
    return v * 0.5 * (jnp.tanh(v * 0.5) + 1.0)


def _atom_scalar_body(cs_ref, z_ref, pos_ref, emb_ref, w0_ref, wp_ref,
                      w1_ref, b1_ref, w2_ref, out_ref, t0_ref):
    @pl.when(pl.program_id(0) == 0)
    def _():
        t0_ref[...] = jnp.dot(emb_ref[...], w0_ref[...],
                              preferred_element_type=jnp.float32)

    z = z_ref[...]
    oh = (lax.broadcasted_iota(jnp.int32, (ZV, B), 0)
          == z[None, :]).astype(jnp.float32)
    xT = lax.dot_general(t0_ref[...], oh, _CT,
                         preferred_element_type=jnp.float32)
    xT = xT + lax.dot_general(wp_ref[...], pos_ref[...], _CT,
                              preferred_element_type=jnp.float32)
    xT = _silu(xT)
    yT = lax.dot_general(w1_ref[...], xT, _CT,
                         preferred_element_type=jnp.float32) + b1_ref[...]
    yT = _silu(yT)
    s = (jnp.sum(yT * w2_ref[...], axis=0) + cs_ref[1]) * cs_ref[0]
    idx = lax.broadcasted_iota(jnp.int32, (B,), 0) + pl.program_id(0) * B
    out_ref[...] = jnp.where(idx < N_ATOMS, s, 0.0)


def _atom_scalars(cs, z, pos, emb, W0, Wp, W1, b1c, W2):
    return pl.pallas_call(
        _atom_scalar_body,
        grid=(G,),
        in_specs=[
            pl.BlockSpec(memory_space=pltpu.SMEM),
            pl.BlockSpec((B,), lambda i: (i,)),
            pl.BlockSpec((3, B), lambda i: (0, i)),
            pl.BlockSpec((ZV, D), lambda i: (0, 0)),
            pl.BlockSpec((D, D), lambda i: (0, 0)),
            pl.BlockSpec((3, D), lambda i: (0, 0)),
            pl.BlockSpec((D, H), lambda i: (0, 0)),
            pl.BlockSpec((H, 1), lambda i: (0, 0)),
            pl.BlockSpec((H, 1), lambda i: (0, 0)),
        ],
        out_specs=pl.BlockSpec((B,), lambda i: (i,)),
        out_shape=jax.ShapeDtypeStruct((NPAD,), jnp.float32),
        scratch_shapes=[pltpu.VMEM((ZV, D), jnp.float32)],
        compiler_params=pltpu.CompilerParams(
            fuse_transposed_lhs_in_matmul=True),
    )(cs, z, pos, emb, W0, Wp, W1, b1c, W2)


N_LAST = N_ATOMS - (NT - 1) * CH
N_LAST_CP = (N_LAST + 15) // 16 * 16


def _segsum_body(s_hbm, ids_hbm, cs_hbm, out_hbm,
                 vals, idbuf, acc, shared, mine, red, csbuf,
                 sem, sem2, sem3):
    sid = lax.axis_index("s")
    base = sid * CH

    h_s = pltpu.async_copy(s_hbm.at[pl.ds(base, CH)], vals, sem)
    @pl.when(sid < NT - 1)
    def _():
        pltpu.async_copy(ids_hbm.at[pl.ds(base, CH + 16)], idbuf, sem2)

    @pl.when(sid == NT - 1)
    def _():
        pltpu.async_copy(ids_hbm.at[pl.ds(base, N_LAST_CP)],
                         idbuf.at[pl.ds(0, N_LAST_CP)], sem2)

    h_c = pltpu.async_copy(cs_hbm, csbuf, sem3)

    zero16 = jnp.zeros((16,), jnp.float32)

    def _zero(j, _):
        acc[pl.ds(j * 16, 16)] = zero16
        return 0
    lax.fori_loop(0, (NSEG + 16) // 16, _zero, 0, unroll=4)

    h_s.wait()
    @pl.when(sid < NT - 1)
    def _():
        pltpu.make_async_copy(ids_hbm.at[pl.ds(base, CH + 16)], idbuf,
                              sem2).wait()

    @pl.when(sid == NT - 1)
    def _():
        pltpu.make_async_copy(ids_hbm.at[pl.ds(base, N_LAST_CP)],
                              idbuf.at[pl.ds(0, N_LAST_CP)], sem2).wait()

    h_c.wait()
    idbuf[pl.ds(CH, 16)] = jnp.full((16,), SENT, jnp.int32)

    lane = lax.iota(jnp.int32, 16)
    limit = N_ATOMS - base

    def _step(i, carry):
        off = i * 16
        v = vals[pl.ds(off, 16)]
        a = idbuf[pl.ds(off, 16)]
        b = idbuf[pl.ds(off + 1, 16)]
        p = lane + off
        a = jnp.where(p < limit, a, PADSEG)
        b = jnp.where((p + 1 < limit) | (p + 1 >= CH), b, PADSEG)
        c = plsc.cumsum(v) + carry
        m = a != b
        plsc.addupdate_scatter(acc, [a], c, mask=m)
        plsc.addupdate_scatter(acc, [b], -c, mask=m)
        return c[15]
    lax.fori_loop(0, CH // 16, _step, jnp.float32(0.0), unroll=4)

    pltpu.sync_copy(acc.at[pl.ds(0, NSEG)], shared.at[sid])
    plsc.subcore_barrier()
    pltpu.sync_copy(shared.at[:, pl.ds(sid * SEGS_PER_TILE, SEGS_PER_TILE)],
                    mine)
    mvec = plsc.load_gather(csbuf, [jnp.full((16,), 2, jnp.int32)])

    def _red(j, _):
        t = mvec
        for l in range(NT):
            t = t + mine[l, pl.ds(j * 16, 16)]
        red[pl.ds(j * 16, 16)] = t
        return 0
    lax.fori_loop(0, SEGS_PER_TILE // 16, _red, 0)
    pltpu.sync_copy(red, out_hbm.at[pl.ds(sid * SEGS_PER_TILE,
                                          SEGS_PER_TILE)])


@functools.cache
def _build_segment_sum():
    mesh = plsc.VectorSubcoreMesh(core_axis_name="c", subcore_axis_name="s",
                                  num_cores=1)

    @functools.partial(
        pl.kernel,
        out_type=jax.ShapeDtypeStruct((NSEG,), jnp.float32),
        mesh=mesh,
        compiler_params=pltpu.CompilerParams(needs_layout_passes=False),
        scratch_types=[
            pltpu.VMEM((CH,), jnp.float32),
            pltpu.VMEM((CH + 16,), jnp.int32),
            pltpu.VMEM((NSEG + 16,), jnp.float32),
            pltpu.VMEM_SHARED((NT, NSEG), jnp.float32),
            pltpu.VMEM((NT, SEGS_PER_TILE), jnp.float32),
            pltpu.VMEM((SEGS_PER_TILE,), jnp.float32),
            pltpu.VMEM((16,), jnp.float32),
            pltpu.SemaphoreType.DMA,
            pltpu.SemaphoreType.DMA,
            pltpu.SemaphoreType.DMA,
        ],
    )
    def _segment_sum(s_hbm, ids_hbm, cs_hbm, out_hbm, vals, idbuf, acc,
                     shared, mine, red, csbuf, sem, sem2, sem3):
        _segsum_body(s_hbm, ids_hbm, cs_hbm, out_hbm, vals, idbuf, acc,
                     shared, mine, red, csbuf, sem, sem2, sem3)

    return _segment_sum


def kernel(z, pos, batch, emb, W0, Wp, W1, b1, W2, b2, std, mean):
    cs = (jnp.zeros((16,), jnp.float32).at[0].set(std).at[1].set(b2[0])
          .at[2].set(mean))
    b1c = b1.reshape(H, 1)
    s = _atom_scalars(cs, z.astype(jnp.int32), pos.T, emb, W0, Wp, W1,
                      b1c, W2)
    out = _build_segment_sum()(s, batch.astype(jnp.int32), cs)
    return out.reshape(NSEG, 1)

# --- scband reference (transcript-rebuilt; emitter-appended) ---
"""Pipeline reference for scband-many-body-model-17721035063350 (READ-ONLY COPY).

The authoritative reference and input builder live on the scoring server;
editing this copy changes nothing except your own understanding.
"""

import jax, jax.numpy as jnp
import numpy as np

N = 100000      # atoms
D = 128         # hidden dim of representation
H = 64          # output head hidden dim
NSEG = 2048     # molecules in batch
ZMAX = 100      # atomic number vocabulary


def setup_inputs(seed: int = 0) -> dict:
    key = jax.random.key(seed)
    ks = jax.random.split(key, 12)
    z = jax.random.randint(ks[0], (N,), 0, ZMAX)
    pos = jax.random.normal(ks[1], (N, 3), dtype=jnp.float32)
    batch = jnp.sort(jax.random.randint(ks[2], (N,), 0, NSEG))
    # learned parameters: representation (embedding + mixing) and output head (pre_reduce MLP)
    emb = jax.random.normal(ks[3], (ZMAX, D), dtype=jnp.float32) * 0.1
    W0 = jax.random.normal(ks[4], (D, D), dtype=jnp.float32) * (1.0 / np.sqrt(D))
    Wp = jax.random.normal(ks[5], (3, D), dtype=jnp.float32) * (1.0 / np.sqrt(3))
    W1 = jax.random.normal(ks[6], (D, H), dtype=jnp.float32) * (1.0 / np.sqrt(D))
    b1 = jnp.zeros((H,), dtype=jnp.float32)
    W2 = jax.random.normal(ks[7], (H, 1), dtype=jnp.float32) * (1.0 / np.sqrt(H))
    b2 = jnp.zeros((1,), dtype=jnp.float32)
    std = jnp.asarray(1.7, dtype=jnp.float32)   # registered buffer 'std'
    mean = jnp.asarray(-3.2, dtype=jnp.float32) # registered buffer 'mean'
    return {"z": z, "pos": pos, "batch": batch, "emb": emb, "W0": W0, "Wp": Wp,
            "W1": W1, "b1": b1, "W2": W2, "b2": b2, "std": std, "mean": mean}


def reference(z, pos, batch, emb, W0, Wp, W1, b1, W2, b2, std, mean):
    # representation_model(data) -> per-atom features x (gather from atomic-number embedding,
    # mixed with positions)
    h = jnp.take(emb, z, axis=0)                       # embedding gather [N, D]
    x = jax.nn.silu(h @ W0 + pos @ Wp)                 # [N, D]
    # output_model.pre_reduce: per-atom scalar contribution
    x = jax.nn.silu(x @ W1 + b1) @ W2 + b2             # [N, 1]
    # x = x * self.std
    x = x * std
    # out = scatter(x, data.batch, dim=0, reduce='add')  -> segment sum over molecules
    out = jax.ops.segment_sum(x, batch, num_segments=NSEG)  # [NSEG, 1]
    # post_reduce is identity for scalar energy heads; out = out + self.mean
    out = out + mean
    return out

if __name__ == "__main__":
    import jax
    _d = setup_inputs()
    print(jax.jit(kernel)(*tuple(_d.values())))

</pallas_src>

<mosaic_0001>
#map = affine_map<(d0, d1) -> (0)>
module attributes {stable_mosaic.version = 14 : i64} {
  func.func @_segment_sum(%arg0: i32, %arg1: i32, %arg2: memref<102400xf32, #tpu.memory_space<hbm>>, %arg3: memref<100000xi32, #tpu.memory_space<hbm>>, %arg4: memref<16xf32, #tpu.memory_space<hbm>>, %arg5: memref<2048xf32, #tpu.memory_space<hbm>>, %arg6: memref<6400xf32, #tpu.memory_space<vmem>>, %arg7: memref<6416xi32, #tpu.memory_space<vmem>>, %arg8: memref<2064xf32, #tpu.memory_space<vmem>>, %arg9: memref<16x2048xf32, #tpu.memory_space<vmem_shared>>, %arg10: memref<16x128xf32, #tpu.memory_space<vmem>>, %arg11: memref<128xf32, #tpu.memory_space<vmem>>, %arg12: memref<16xf32, #tpu.memory_space<vmem>>, %arg13: memref<!tpu.dma_semaphore, #tpu.memory_space<semaphore_mem>>, %arg14: memref<!tpu.dma_semaphore, #tpu.memory_space<semaphore_mem>>, %arg15: memref<!tpu.dma_semaphore, #tpu.memory_space<semaphore_mem>>) attributes {dimension_semantics = [#tpu.dimension_semantics<core_parallel>, #tpu.dimension_semantics<subcore_parallel>], iteration_bounds = array<i64: 1, 16>, scalar_prefetch = 0 : i64, scratch_operands = 10 : i64, tpu.core_type = #tpu.core_type<sc_vector_subcore>, window_params = [{transform_indices = #map}, {transform_indices = #map}, {transform_indices = #map}, {transform_indices = #map}]} {
    %mul3A = arith.constant 6400 : i32
    %mul3A_0 = arith.muli %arg1, %mul3A : i32
    %dma_start3A = tpu.memref_slice %arg2[%mul3A_0] : memref<102400xf32, #tpu.memory_space<hbm>> -> memref<6400xf32, #tpu.memory_space<hbm>>
    %dma_start3A_1 = tpu.memref_slice %arg2[%mul3A_0] : memref<102400xf32, #tpu.memory_space<hbm>> -> memref<6400xf32, #tpu.memory_space<hbm>>
    tpu.enqueue_dma source(%dma_start3A_1 : memref<6400xf32, #tpu.memory_space<hbm>>) target(%arg6 : memref<6400xf32, #tpu.memory_space<vmem>>) target_semaphore(%arg13 : memref<!tpu.dma_semaphore, #tpu.memory_space<semaphore_mem>>)
    %lt3A = arith.constant 15 : i32
    %lt3A_2 = arith.cmpi slt, %arg1, %lt3A : i32
    %convert_element_type3A = arith.extui %lt3A_2 : i1 to i32
    %cond3A = arith.constant 0 : i32
    %cond3A_3 = arith.cmpi ne, %convert_element_type3A, %cond3A : i32
    scf.if %cond3A_3 {
      %dma_start3A_57 = tpu.memref_slice %arg3[%mul3A_0] : memref<100000xi32, #tpu.memory_space<hbm>> -> memref<6416xi32, #tpu.memory_space<hbm>>
      %dma_start3A_58 = tpu.memref_slice %arg3[%mul3A_0] : memref<100000xi32, #tpu.memory_space<hbm>> -> memref<6416xi32, #tpu.memory_space<hbm>>
      tpu.enqueue_dma source(%dma_start3A_58 : memref<6416xi32, #tpu.memory_space<hbm>>) target(%arg7 : memref<6416xi32, #tpu.memory_space<vmem>>) target_semaphore(%arg14 : memref<!tpu.dma_semaphore, #tpu.memory_space<semaphore_mem>>)
    } else {
    }
    %eq3A = arith.constant 15 : i32
    %eq3A_4 = arith.cmpi eq, %arg1, %eq3A : i32
    %convert_element_type3A_5 = arith.extui %eq3A_4 : i1 to i32
    %cond3A_6 = arith.constant 0 : i32
    %cond3A_7 = arith.cmpi ne, %convert_element_type3A_5, %cond3A_6 : i32
    scf.if %cond3A_7 {
      %dma_start3A_57 = arith.constant 0 : i32
      %dma_start3A_58 = tpu.memref_slice %arg7[%dma_start3A_57] : memref<6416xi32, #tpu.memory_space<vmem>> -> memref<4000xi32, #tpu.memory_space<vmem>>
      %dma_start3A_59 = tpu.memref_slice %arg3[%mul3A_0] : memref<100000xi32, #tpu.memory_space<hbm>> -> memref<4000xi32, #tpu.memory_space<hbm>>
      %dma_start3A_60 = arith.constant 0 : i32
      %dma_start3A_61 = tpu.memref_slice %arg7[%dma_start3A_60] : memref<6416xi32, #tpu.memory_space<vmem>> -> memref<4000xi32, #tpu.memory_space<vmem>>
      %dma_start3A_62 = tpu.memref_slice %arg3[%mul3A_0] : memref<100000xi32, #tpu.memory_space<hbm>> -> memref<4000xi32, #tpu.memory_space<hbm>>
      tpu.enqueue_dma source(%dma_start3A_62 : memref<4000xi32, #tpu.memory_space<hbm>>) target(%dma_start3A_61 : memref<4000xi32, #tpu.memory_space<vmem>>) target_semaphore(%arg14 : memref<!tpu.dma_semaphore, #tpu.memory_space<semaphore_mem>>)
    } else {
    }
    tpu.enqueue_dma source(%arg4 : memref<16xf32, #tpu.memory_space<hbm>>) target(%arg12 : memref<16xf32, #tpu.memory_space<vmem>>) target_semaphore(%arg15 : memref<!tpu.dma_semaphore, #tpu.memory_space<semaphore_mem>>)
    %broadcast_in_dim3A = arith.constant 0.000000e+00 : f32
    %broadcast_in_dim3A_8 = vector.broadcast %broadcast_in_dim3A : f32 to vector<16xf32>
    %scan3A = arith.constant 0 : i32
    %scan3A_9 = arith.constant 0 : i32
    %scan3A_10 = arith.constant 128 : i32
    %scan3A_11 = arith.addi %scan3A_9, %scan3A_10 : i32
    %scan3A_12 = arith.constant 4 : i32
    %scan3A_13 = scf.for %scan3A_57 = %scan3A_9 to %scan3A_11 step %scan3A_12 iter_args(%scan3A_58 = %scan3A) -> (i32)  : i32 {
      %mul3A_59 = arith.constant 16 : i32
      %mul3A_60 = arith.muli %scan3A_57, %mul3A_59 : i32
      %swap3A_61 = arith.index_cast %mul3A_60 : i32 to index
      %swap3A_62 = tpu.vector_load %arg8[%swap3A_61] {strides = array<i32>} : memref<2064xf32, #tpu.memory_space<vmem>>, vector<16xf32>,
      tpu.vector_store %arg8[%swap3A_61], %broadcast_in_dim3A_8 {strides = array<i32>} : memref<2064xf32, #tpu.memory_space<vmem>>, vector<16xf32>,
      %scan3A_63 = arith.constant 0 : i32
      %scan3A_64 = arith.constant 1 : i32
      %scan3A_65 = arith.addi %scan3A_57, %scan3A_64 : i32
      %mul3A_66 = arith.constant 16 : i32
      %mul3A_67 = arith.muli %scan3A_65, %mul3A_66 : i32
      %swap3A_68 = arith.index_cast %mul3A_67 : i32 to index
      %swap3A_69 = tpu.vector_load %arg8[%swap3A_68] {strides = array<i32>} : memref<2064xf32, #tpu.memory_space<vmem>>, vector<16xf32>,
      tpu.vector_store %arg8[%swap3A_68], %broadcast_in_dim3A_8 {strides = array<i32>} : memref<2064xf32, #tpu.memory_space<vmem>>, vector<16xf32>,
      %scan3A_70 = arith.constant 0 : i32
      %scan3A_71 = arith.constant 2 : i32
      %scan3A_72 = arith.addi %scan3A_57, %scan3A_71 : i32
      %mul3A_73 = arith.constant 16 : i32
      %mul3A_74 = arith.muli %scan3A_72, %mul3A_73 : i32
      %swap3A_75 = arith.index_cast %mul3A_74 : i32 to index
      %swap3A_76 = tpu.vector_load %arg8[%swap3A_75] {strides = array<i32>} : memref<2064xf32, #tpu.memory_space<vmem>>, vector<16xf32>,
      tpu.vector_store %arg8[%swap3A_75], %broadcast_in_dim3A_8 {strides = array<i32>} : memref<2064xf32, #tpu.memory_space<vmem>>, vector<16xf32>,
      %scan3A_77 = arith.constant 0 : i32
      %scan3A_78 = arith.constant 3 : i32
      %scan3A_79 = arith.addi %scan3A_57, %scan3A_78 : i32
      %mul3A_80 = arith.constant 16 : i32
      %mul3A_81 = arith.muli %scan3A_79, %mul3A_80 : i32
      %swap3A_82 = arith.index_cast %mul3A_81 : i32 to index
      %swap3A_83 = tpu.vector_load %arg8[%swap3A_82] {strides = array<i32>} : memref<2064xf32, #tpu.memory_space<vmem>>, vector<16xf32>,
      tpu.vector_store %arg8[%swap3A_82], %broadcast_in_dim3A_8 {strides = array<i32>} : memref<2064xf32, #tpu.memory_space<vmem>>, vector<16xf32>,
      %scan3A_84 = arith.constant 0 : i32
      scf.yield %scan3A_84 : i32
    }
    %scan3A_14 = arith.constant 128 : i32
    %scan3A_15 = arith.addi %scan3A_9, %scan3A_14 : i32
    %mul3A_16 = arith.constant 16 : i32
    %mul3A_17 = arith.muli %scan3A_15, %mul3A_16 : i32
    %swap3A = arith.index_cast %mul3A_17 : i32 to index
    %swap3A_18 = tpu.vector_load %arg8[%swap3A] {strides = array<i32>} : memref<2064xf32, #tpu.memory_space<vmem>>, vector<16xf32>,
    tpu.vector_store %arg8[%swap3A], %broadcast_in_dim3A_8 {strides = array<i32>} : memref<2064xf32, #tpu.memory_space<vmem>>, vector<16xf32>,
    %scan3A_19 = arith.constant 0 : i32
    %scan3A_20 = arith.constant 129 : i32
    %dma_wait3A = tpu.memref_slice %arg2[%mul3A_0] : memref<102400xf32, #tpu.memory_space<hbm>> -> memref<6400xf32, #tpu.memory_space<hbm>>
    %dma_wait3A_21 = tpu.memref_slice %arg2[%mul3A_0] : memref<102400xf32, #tpu.memory_space<hbm>> -> memref<6400xf32, #tpu.memory_space<hbm>>
    tpu.wait_dma2 semaphore(%arg13 : memref<!tpu.dma_semaphore, #tpu.memory_space<semaphore_mem>>) src(%dma_wait3A_21 : memref<6400xf32, #tpu.memory_space<hbm>>) dst(%arg6 : memref<6400xf32, #tpu.memory_space<vmem>>)
    %lt3A_22 = arith.constant 15 : i32
    %lt3A_23 = arith.cmpi slt, %arg1, %lt3A_22 : i32
    %convert_element_type3A_24 = arith.extui %lt3A_23 : i1 to i32
    %cond3A_25 = arith.constant 0 : i32
    %cond3A_26 = arith.cmpi ne, %convert_element_type3A_24, %cond3A_25 : i32
    scf.if %cond3A_26 {
      %dma_wait3A_57 = tpu.memref_slice %arg3[%mul3A_0] : memref<100000xi32, #tpu.memory_space<hbm>> -> memref<6416xi32, #tpu.memory_space<hbm>>
      %dma_wait3A_58 = tpu.memref_slice %arg3[%mul3A_0] : memref<100000xi32, #tpu.memory_space<hbm>> -> memref<6416xi32, #tpu.memory_space<hbm>>
      tpu.wait_dma2 semaphore(%arg14 : memref<!tpu.dma_semaphore, #tpu.memory_space<semaphore_mem>>) src(%dma_wait3A_58 : memref<6416xi32, #tpu.memory_space<hbm>>) dst(%arg7 : memref<6416xi32, #tpu.memory_space<vmem>>)
    } else {
    }
    %eq3A_27 = arith.constant 15 : i32
    %eq3A_28 = arith.cmpi eq, %arg1, %eq3A_27 : i32
    %convert_element_type3A_29 = arith.extui %eq3A_28 : i1 to i32
    %cond3A_30 = arith.constant 0 : i32
    %cond3A_31 = arith.cmpi ne, %convert_element_type3A_29, %cond3A_30 : i32
    scf.if %cond3A_31 {
      %dma_wait3A_57 = arith.constant 0 : i32
      %dma_wait3A_58 = tpu.memref_slice %arg7[%dma_wait3A_57] : memref<6416xi32, #tpu.memory_space<vmem>> -> memref<4000xi32, #tpu.memory_space<vmem>>
      %dma_wait3A_59 = tpu.memref_slice %arg3[%mul3A_0] : memref<100000xi32, #tpu.memory_space<hbm>> -> memref<4000xi32, #tpu.memory_space<hbm>>
      %dma_wait3A_60 = arith.constant 0 : i32
      %dma_wait3A_61 = tpu.memref_slice %arg7[%dma_wait3A_60] : memref<6416xi32, #tpu.memory_space<vmem>> -> memref<4000xi32, #tpu.memory_space<vmem>>
      %dma_wait3A_62 = tpu.memref_slice %arg3[%mul3A_0] : memref<100000xi32, #tpu.memory_space<hbm>> -> memref<4000xi32, #tpu.memory_space<hbm>>
      tpu.wait_dma2 semaphore(%arg14 : memref<!tpu.dma_semaphore, #tpu.memory_space<semaphore_mem>>) src(%dma_wait3A_62 : memref<4000xi32, #tpu.memory_space<hbm>>) dst(%dma_wait3A_61 : memref<4000xi32, #tpu.memory_space<vmem>>)
    } else {
    }
    tpu.wait_dma2 semaphore(%arg15 : memref<!tpu.dma_semaphore, #tpu.memory_space<semaphore_mem>>) src(%arg4 : memref<16xf32, #tpu.memory_space<hbm>>) dst(%arg12 : memref<16xf32, #tpu.memory_space<vmem>>)
    %broadcast_in_dim3A_32 = arith.constant 2048 : i32
    %broadcast_in_dim3A_33 = vector.broadcast %broadcast_in_dim3A_32 : i32 to vector<16xi32>
    %swap3A_34 = arith.constant 6400 : index
    %swap3A_35 = tpu.vector_load %arg7[%swap3A_34] {strides = array<i32>} : memref<6416xi32, #tpu.memory_space<vmem>>, vector<16xi32>,
    tpu.vector_store %arg7[%swap3A_34], %broadcast_in_dim3A_33 {strides = array<i32>} : memref<6416xi32, #tpu.memory_space<vmem>>, vector<16xi32>,
    %iota3A = tpu.iota {dimensions = array<i32: 0>} : vector<16xi32>
    %sub3A = arith.constant 100000 : i32
    %sub3A_36 = arith.subi %sub3A, %mul3A_0 : i32
    %scan3A_37 = arith.constant 0.000000e+00 : f32
    %scan3A_38 = arith.constant 0 : i32
    %scan3A_39 = arith.constant 400 : i32
    %scan3A_40 = arith.addi %scan3A_38, %scan3A_39 : i32
    %scan3A_41 = arith.constant 4 : i32
    %scan3A_42 = scf.for %scan3A_57 = %scan3A_38 to %scan3A_40 step %scan3A_41 iter_args(%scan3A_58 = %scan3A_37) -> (f32)  : i32 {
      %mul3A_59 = arith.constant 16 : i32
      %mul3A_60 = arith.muli %scan3A_57, %mul3A_59 : i32
      %get3A = arith.index_cast %mul3A_60 : i32 to index
      %get3A_61 = tpu.vector_load %arg6[%get3A] {strides = array<i32>} : memref<6400xf32, #tpu.memory_space<vmem>>, vector<16xf32>,
      %get3A_62 = arith.index_cast %mul3A_60 : i32 to index
      %get3A_63 = tpu.vector_load %arg7[%get3A_62] {strides = array<i32>} : memref<6416xi32, #tpu.memory_space<vmem>>, vector<16xi32>,
      %add3A = arith.constant 1 : i32
      %add3A_64 = arith.addi %mul3A_60, %add3A : i32
      %get3A_65 = arith.index_cast %add3A_64 : i32 to index
      %get3A_66 = tpu.vector_load %arg7[%get3A_65] {strides = array<i32>} : memref<6416xi32, #tpu.memory_space<vmem>>, vector<16xi32>,
      %add3A_67 = vector.broadcast %mul3A_60 : i32 to vector<16xi32>
      %add3A_68 = arith.addi %iota3A, %add3A_67 : vector<16xi32>
      %lt3A_69 = vector.broadcast %sub3A_36 : i32 to vector<16xi32>
      %lt3A_70 = arith.cmpi slt, %add3A_68, %lt3A_69 : vector<16xi32>
      %jit3A = arith.constant 2047 : i32
      %broadcast_in_dim3A_71 = vector.broadcast %jit3A : i32 to vector<16xi32>
      %select_n3A = arith.select %lt3A_70, %get3A_63, %broadcast_in_dim3A_71 : vector<16xi1>, vector<16xi32>
      %add3A_72 = arith.constant 1 : i32
      %add3A_73 = vector.broadcast %add3A_72 : i32 to vector<16xi32>
      %add3A_74 = arith.addi %add3A_68, %add3A_73 : vector<16xi32>
      %lt3A_75 = vector.broadcast %sub3A_36 : i32 to vector<16xi32>
      %lt3A_76 = arith.cmpi slt, %add3A_74, %lt3A_75 : vector<16xi32>
      %add3A_77 = arith.constant 1 : i32
      %add3A_78 = vector.broadcast %add3A_77 : i32 to vector<16xi32>
      %add3A_79 = arith.addi %add3A_68, %add3A_78 : vector<16xi32>
      %ge3A = arith.constant 6400 : i32
      %ge3A_80 = vector.broadcast %ge3A : i32 to vector<16xi32>
      %ge3A_81 = arith.cmpi sge, %add3A_79, %ge3A_80 : vector<16xi32>
      %or3A = arith.ori %lt3A_76, %ge3A_81 : vector<16xi1>
      %jit3A_82 = arith.constant 2047 : i32
      %broadcast_in_dim3A_83 = vector.broadcast %jit3A_82 : i32 to vector<16xi32>
      %select_n3A_84 = arith.select %or3A, %get3A_66, %broadcast_in_dim3A_83 : vector<16xi1>, vector<16xi32>
      %broadcast_in_dim3A_85 = arith.constant true
      %broadcast_in_dim3A_86 = vector.broadcast %broadcast_in_dim3A_85 : i1 to vector<16xi1>
      %masked_cumsum3A = tpu.scan <sum>, %get3A_61 masked %broadcast_in_dim3A_86 : vector<16xf32>, vector<16xi1> -> vector<16xf32>
      %add3A_87 = vector.broadcast %scan3A_58 : f32 to vector<16xf32>
      %add3A_88 = arith.addf %masked_cumsum3A, %add3A_87 : vector<16xf32>
      %ne3A = arith.cmpi ne, %select_n3A, %select_n3A_84 : vector<16xi32>
      tpu.vector_store_idx %arg8[%select_n3A], %add3A_88 masked %ne3A {add = true} : memref<2064xf32, #tpu.memory_space<vmem>>[vector<16xi32>], vector<16xf32>, vector<16xi1>
      %neg3A = arith.constant 0.000000e+00 : f32
      %neg3A_89 = vector.broadcast %neg3A : f32 to vector<16xf32>
      %neg3A_90 = arith.subf %neg3A_89, %add3A_88 : vector<16xf32>
      tpu.vector_store_idx %arg8[%select_n3A_84], %neg3A_90 masked %ne3A {add = true} : memref<2064xf32, #tpu.memory_space<vmem>>[vector<16xi32>], vector<16xf32>, vector<16xi1>
      %slice3A = vector.extract_strided_slice %add3A_88 {offsets = [15], sizes = [1], strides = [1]} : vector<16xf32> to vector<1xf32>
      %squeeze3A = vector.extract %slice3A[0] : f32 from vector<1xf32>
      %scan3A_91 = arith.constant 1 : i32
      %scan3A_92 = arith.addi %scan3A_57, %scan3A_91 : i32
      %mul3A_93 = arith.constant 16 : i32
      %mul3A_94 = arith.muli %scan3A_92, %mul3A_93 : i32
      %get3A_95 = arith.index_cast %mul3A_94 : i32 to index
      %get3A_96 = tpu.vector_load %arg6[%get3A_95] {strides = array<i32>} : memref<6400xf32, #tpu.memory_space<vmem>>, vector<16xf32>,
      %get3A_97 = arith.index_cast %mul3A_94 : i32 to index
      %get3A_98 = tpu.vector_load %arg7[%get3A_97] {strides = array<i32>} : memref<6416xi32, #tpu.memory_space<vmem>>, vector<16xi32>,
      %add3A_99 = arith.constant 1 : i32
      %add3A_100 = arith.addi %mul3A_94, %add3A_99 : i32
      %get3A_101 = arith.index_cast %add3A_100 : i32 to index
      %get3A_102 = tpu.vector_load %arg7[%get3A_101] {strides = array<i32>} : memref<6416xi32, #tpu.memory_space<vmem>>, vector<16xi32>,
      %add3A_103 = vector.broadcast %mul3A_94 : i32 to vector<16xi32>
      %add3A_104 = arith.addi %iota3A, %add3A_103 : vector<16xi32>
      %lt3A_105 = vector.broadcast %sub3A_36 : i32 to vector<16xi32>
      %lt3A_106 = arith.cmpi slt, %add3A_104, %lt3A_105 : vector<16xi32>
      %jit3A_107 = arith.constant 2047 : i32
      %broadcast_in_dim3A_108 = vector.broadcast %jit3A_107 : i32 to vector<16xi32>
      %select_n3A_109 = arith.select %lt3A_106, %get3A_98, %broadcast_in_dim3A_108 : vector<16xi1>, vector<16xi32>
      %add3A_110 = arith.constant 1 : i32
      %add3A_111 = vector.broadcast %add3A_110 : i32 to vector<16xi32>
      %add3A_112 = arith.addi %add3A_104, %add3A_111 : vector<16xi32>
      %lt3A_113 = vector.broadcast %sub3A_36 : i32 to vector<16xi32>
      %lt3A_114 = arith.cmpi slt, %add3A_112, %lt3A_113 : vector<16xi32>
      %add3A_115 = arith.constant 1 : i32
      %add3A_116 = vector.broadcast %add3A_115 : i32 to vector<16xi32>
      %add3A_117 = arith.addi %add3A_104, %add3A_116 : vector<16xi32>
      %ge3A_118 = arith.constant 6400 : i32
      %ge3A_119 = vector.broadcast %ge3A_118 : i32 to vector<16xi32>
      %ge3A_120 = arith.cmpi sge, %add3A_117, %ge3A_119 : vector<16xi32>
      %or3A_121 = arith.ori %lt3A_114, %ge3A_120 : vector<16xi1>
      %jit3A_122 = arith.constant 2047 : i32
      %broadcast_in_dim3A_123 = vector.broadcast %jit3A_122 : i32 to vector<16xi32>
      %select_n3A_124 = arith.select %or3A_121, %get3A_102, %broadcast_in_dim3A_123 : vector<16xi1>, vector<16xi32>
      %broadcast_in_dim3A_125 = arith.constant true
      %broadcast_in_dim3A_126 = vector.broadcast %broadcast_in_dim3A_125 : i1 to vector<16xi1>
      %masked_cumsum3A_127 = tpu.scan <sum>, %get3A_96 masked %broadcast_in_dim3A_126 : vector<16xf32>, vector<16xi1> -> vector<16xf32>
      %add3A_128 = vector.broadcast %squeeze3A : f32 to vector<16xf32>
      %add3A_129 = arith.addf %masked_cumsum3A_127, %add3A_128 : vector<16xf32>
      %ne3A_130 = arith.cmpi ne, %select_n3A_109, %select_n3A_124 : vector<16xi32>
      tpu.vector_store_idx %arg8[%select_n3A_109], %add3A_129 masked %ne3A_130 {add = true} : memref<2064xf32, #tpu.memory_space<vmem>>[vector<16xi32>], vector<16xf32>, vector<16xi1>
      %neg3A_131 = arith.constant 0.000000e+00 : f32
      %neg3A_132 = vector.broadcast %neg3A_131 : f32 to vector<16xf32>
      %neg3A_133 = arith.subf %neg3A_132, %add3A_129 : vector<16xf32>
      tpu.vector_store_idx %arg8[%select_n3A_124], %neg3A_133 masked %ne3A_130 {add = true} : memref<2064xf32, #tpu.memory_space<vmem>>[vector<16xi32>], vector<16xf32>, vector<16xi1>
      %slice3A_134 = vector.extract_strided_slice %add3A_129 {offsets = [15], sizes = [1], strides = [1]} : vector<16xf32> to vector<1xf32>
      %squeeze3A_135 = vector.extract %slice3A_134[0] : f32 from vector<1xf32>
      %scan3A_136 = arith.constant 2 : i32
      %scan3A_137 = arith.addi %scan3A_57, %scan3A_136 : i32
      %mul3A_138 = arith.constant 16 : i32
      %mul3A_139 = arith.muli %scan3A_137, %mul3A_138 : i32
      %get3A_140 = arith.index_cast %mul3A_139 : i32 to index
      %get3A_141 = tpu.vector_load %arg6[%get3A_140] {strides = array<i32>} : memref<6400xf32, #tpu.memory_space<vmem>>, vector<16xf32>,
      %get3A_142 = arith.index_cast %mul3A_139 : i32 to index
      %get3A_143 = tpu.vector_load %arg7[%get3A_142] {strides = array<i32>} : memref<6416xi32, #tpu.memory_space<vmem>>, vector<16xi32>,
      %add3A_144 = arith.constant 1 : i32
      %add3A_145 = arith.addi %mul3A_139, %add3A_144 : i32
      %get3A_146 = arith.index_cast %add3A_145 : i32 to index
      %get3A_147 = tpu.vector_load %arg7[%get3A_146] {strides = array<i32>} : memref<6416xi32, #tpu.memory_space<vmem>>, vector<16xi32>,
      %add3A_148 = vector.broadcast %mul3A_139 : i32 to vector<16xi32>
      %add3A_149 = arith.addi %iota3A, %add3A_148 : vector<16xi32>
      %lt3A_150 = vector.broadcast %sub3A_36 : i32 to vector<16xi32>
      %lt3A_151 = arith.cmpi slt, %add3A_149, %lt3A_150 : vector<16xi32>
      %jit3A_152 = arith.constant 2047 : i32
      %broadcast_in_dim3A_153 = vector.broadcast %jit3A_152 : i32 to vector<16xi32>
      %select_n3A_154 = arith.select %lt3A_151, %get3A_143, %broadcast_in_dim3A_153 : vector<16xi1>, vector<16xi32>
      %add3A_155 = arith.constant 1 : i32
      %add3A_156 = vector.broadcast %add3A_155 : i32 to vector<16xi32>
      %add3A_157 = arith.addi %add3A_149, %add3A_156 : vector<16xi32>
      %lt3A_158 = vector.broadcast %sub3A_36 : i32 to vector<16xi32>
      %lt3A_159 = arith.cmpi slt, %add3A_157, %lt3A_158 : vector<16xi32>
      %add3A_160 = arith.constant 1 : i32
      %add3A_161 = vector.broadcast %add3A_160 : i32 to vector<16xi32>
      %add3A_162 = arith.addi %add3A_149, %add3A_161 : vector<16xi32>
      %ge3A_163 = arith.constant 6400 : i32
      %ge3A_164 = vector.broadcast %ge3A_163 : i32 to vector<16xi32>
      %ge3A_165 = arith.cmpi sge, %add3A_162, %ge3A_164 : vector<16xi32>
      %or3A_166 = arith.ori %lt3A_159, %ge3A_165 : vector<16xi1>
      %jit3A_167 = arith.constant 2047 : i32
      %broadcast_in_dim3A_168 = vector.broadcast %jit3A_167 : i32 to vector<16xi32>
      %select_n3A_169 = arith.select %or3A_166, %get3A_147, %broadcast_in_dim3A_168 : vector<16xi1>, vector<16xi32>
      %broadcast_in_dim3A_170 = arith.constant true
      %broadcast_in_dim3A_171 = vector.broadcast %broadcast_in_dim3A_170 : i1 to vector<16xi1>
      %masked_cumsum3A_172 = tpu.scan <sum>, %get3A_141 masked %broadcast_in_dim3A_171 : vector<16xf32>, vector<16xi1> -> vector<16xf32>
      %add3A_173 = vector.broadcast %squeeze3A_135 : f32 to vector<16xf32>
      %add3A_174 = arith.addf %masked_cumsum3A_172, %add3A_173 : vector<16xf32>
      %ne3A_175 = arith.cmpi ne, %select_n3A_154, %select_n3A_169 : vector<16xi32>
      tpu.vector_store_idx %arg8[%select_n3A_154], %add3A_174 masked %ne3A_175 {add = true} : memref<2064xf32, #tpu.memory_space<vmem>>[vector<16xi32>], vector<16xf32>, vector<16xi1>
      %neg3A_176 = arith.constant 0.000000e+00 : f32
      %neg3A_177 = vector.broadcast %neg3A_176 : f32 to vector<16xf32>
      %neg3A_178 = arith.subf %neg3A_177, %add3A_174 : vector<16xf32>
      tpu.vector_store_idx %arg8[%select_n3A_169], %neg3A_178 masked %ne3A_175 {add = true} : memref<2064xf32, #tpu.memory_space<vmem>>[vector<16xi32>], vector<16xf32>, vector<16xi1>
      %slice3A_179 = vector.extract_strided_slice %add3A_174 {offsets = [15], sizes = [1], strides = [1]} : vector<16xf32> to vector<1xf32>
      %squeeze3A_180 = vector.extract %slice3A_179[0] : f32 from vector<1xf32>
      %scan3A_181 = arith.constant 3 : i32
      %scan3A_182 = arith.addi %scan3A_57, %scan3A_181 : i32
      %mul3A_183 = arith.constant 16 : i32
      %mul3A_184 = arith.muli %scan3A_182, %mul3A_183 : i32
      %get3A_185 = arith.index_cast %mul3A_184 : i32 to index
      %get3A_186 = tpu.vector_load %arg6[%get3A_185] {strides = array<i32>} : memref<6400xf32, #tpu.memory_space<vmem>>, vector<16xf32>,
      %get3A_187 = arith.index_cast %mul3A_184 : i32 to index
      %get3A_188 = tpu.vector_load %arg7[%get3A_187] {strides = array<i32>} : memref<6416xi32, #tpu.memory_space<vmem>>, vector<16xi32>,
      %add3A_189 = arith.constant 1 : i32
      %add3A_190 = arith.addi %mul3A_184, %add3A_189 : i32
      %get3A_191 = arith.index_cast %add3A_190 : i32 to index
      %get3A_192 = tpu.vector_load %arg7[%get3A_191] {strides = array<i32>} : memref<6416xi32, #tpu.memory_space<vmem>>, vector<16xi32>,
      %add3A_193 = vector.broadcast %mul3A_184 : i32 to vector<16xi32>
      %add3A_194 = arith.addi %iota3A, %add3A_193 : vector<16xi32>
      %lt3A_195 = vector.broadcast %sub3A_36 : i32 to vector<16xi32>
      %lt3A_196 = arith.cmpi slt, %add3A_194, %lt3A_195 : vector<16xi32>
      %jit3A_197 = arith.constant 2047 : i32
      %broadcast_in_dim3A_198 = vector.broadcast %jit3A_197 : i32 to vector<16xi32>
      %select_n3A_199 = arith.select %lt3A_196, %get3A_188, %broadcast_in_dim3A_198 : vector<16xi1>, vector<16xi32>
      %add3A_200 = arith.constant 1 : i32
      %add3A_201 = vector.broadcast %add3A_200 : i32 to vector<16xi32>
      %add3A_202 = arith.addi %add3A_194, %add3A_201 : vector<16xi32>
      %lt3A_203 = vector.broadcast %sub3A_36 : i32 to vector<16xi32>
      %lt3A_204 = arith.cmpi slt, %add3A_202, %lt3A_203 : vector<16xi32>
      %add3A_205 = arith.constant 1 : i32
      %add3A_206 = vector.broadcast %add3A_205 : i32 to vector<16xi32>
      %add3A_207 = arith.addi %add3A_194, %add3A_206 : vector<16xi32>
      %ge3A_208 = arith.constant 6400 : i32
      %ge3A_209 = vector.broadcast %ge3A_208 : i32 to vector<16xi32>
      %ge3A_210 = arith.cmpi sge, %add3A_207, %ge3A_209 : vector<16xi32>
      %or3A_211 = arith.ori %lt3A_204, %ge3A_210 : vector<16xi1>
      %jit3A_212 = arith.constant 2047 : i32
      %broadcast_in_dim3A_213 = vector.broadcast %jit3A_212 : i32 to vector<16xi32>
      %select_n3A_214 = arith.select %or3A_211, %get3A_192, %broadcast_in_dim3A_213 : vector<16xi1>, vector<16xi32>
      %broadcast_in_dim3A_215 = arith.constant true
      %broadcast_in_dim3A_216 = vector.broadcast %broadcast_in_dim3A_215 : i1 to vector<16xi1>
      %masked_cumsum3A_217 = tpu.scan <sum>, %get3A_186 masked %broadcast_in_dim3A_216 : vector<16xf32>, vector<16xi1> -> vector<16xf32>
      %add3A_218 = vector.broadcast %squeeze3A_180 : f32 to vector<16xf32>
      %add3A_219 = arith.addf %masked_cumsum3A_217, %add3A_218 : vector<16xf32>
      %ne3A_220 = arith.cmpi ne, %select_n3A_199, %select_n3A_214 : vector<16xi32>
      tpu.vector_store_idx %arg8[%select_n3A_199], %add3A_219 masked %ne3A_220 {add = true} : memref<2064xf32, #tpu.memory_space<vmem>>[vector<16xi32>], vector<16xf32>, vector<16xi1>
      %neg3A_221 = arith.constant 0.000000e+00 : f32
      %neg3A_222 = vector.broadcast %neg3A_221 : f32 to vector<16xf32>
      %neg3A_223 = arith.subf %neg3A_222, %add3A_219 : vector<16xf32>
      tpu.vector_store_idx %arg8[%select_n3A_214], %neg3A_223 masked %ne3A_220 {add = true} : memref<2064xf32, #tpu.memory_space<vmem>>[vector<16xi32>], vector<16xf32>, vector<16xi1>
      %slice3A_224 = vector.extract_strided_slice %add3A_219 {offsets = [15], sizes = [1], strides = [1]} : vector<16xf32> to vector<1xf32>
      %squeeze3A_225 = vector.extract %slice3A_224[0] : f32 from vector<1xf32>
      scf.yield %squeeze3A_225 : f32
    }
    %scan3A_43 = arith.constant 400 : i32
    "tpu.region"() ({
      %run_scoped3A = tpu.sem_alloc : memref<!tpu.dma_semaphore, #tpu.memory_space<semaphore_mem>>
      %dma_start3A_57 = arith.constant 0 : i32
      %dma_start3A_58 = tpu.memref_slice %arg8[%dma_start3A_57] : memref<2064xf32, #tpu.memory_space<vmem>> -> memref<2048xf32, #tpu.memory_space<vmem>>
      %dma_start3A_59 = arith.constant 0 : i32
      %dma_start3A_60 = tpu.memref_slice %arg9[%arg1, %dma_start3A_59] : memref<16x2048xf32, #tpu.memory_space<vmem_shared>> -> memref<1x2048xf32, #tpu.memory_space<vmem_shared>>
      %dma_start3A_61 = tpu.memref_squeeze %dma_start3A_60 : memref<1x2048xf32, #tpu.memory_space<vmem_shared>> -> memref<2048xf32, #tpu.memory_space<vmem_shared>>
      %dma_start3A_62 = arith.constant 0 : i32
      %dma_start3A_63 = tpu.memref_slice %arg9[%arg1, %dma_start3A_62] : memref<16x2048xf32, #tpu.memory_space<vmem_shared>> -> memref<1x2048xf32, #tpu.memory_space<vmem_shared>>
      %dma_start3A_64 = tpu.memref_squeeze %dma_start3A_63 : memref<1x2048xf32, #tpu.memory_space<vmem_shared>> -> memref<2048xf32, #tpu.memory_space<vmem_shared>>
      %dma_start3A_65 = arith.constant 0 : i32
      %dma_start3A_66 = tpu.memref_slice %arg8[%dma_start3A_65] : memref<2064xf32, #tpu.memory_space<vmem>> -> memref<2048xf32, #tpu.memory_space<vmem>>
      tpu.enqueue_dma source(%dma_start3A_66 : memref<2048xf32, #tpu.memory_space<vmem>>) target(%dma_start3A_64 : memref<2048xf32, #tpu.memory_space<vmem_shared>>) target_semaphore(%run_scoped3A : memref<!tpu.dma_semaphore, #tpu.memory_space<semaphore_mem>>)
      %dma_wait3A_67 = arith.constant 0 : i32
      %dma_wait3A_68 = tpu.memref_slice %arg8[%dma_wait3A_67] : memref<2064xf32, #tpu.memory_space<vmem>> -> memref<2048xf32, #tpu.memory_space<vmem>>
      %dma_wait3A_69 = arith.constant 0 : i32
      %dma_wait3A_70 = tpu.memref_slice %arg9[%arg1, %dma_wait3A_69] : memref<16x2048xf32, #tpu.memory_space<vmem_shared>> -> memref<1x2048xf32, #tpu.memory_space<vmem_shared>>
      %dma_wait3A_71 = tpu.memref_squeeze %dma_wait3A_70 : memref<1x2048xf32, #tpu.memory_space<vmem_shared>> -> memref<2048xf32, #tpu.memory_space<vmem_shared>>
      %dma_wait3A_72 = arith.constant 0 : i32
      %dma_wait3A_73 = tpu.memref_slice %arg9[%arg1, %dma_wait3A_72] : memref<16x2048xf32, #tpu.memory_space<vmem_shared>> -> memref<1x2048xf32, #tpu.memory_space<vmem_shared>>
      %dma_wait3A_74 = tpu.memref_squeeze %dma_wait3A_73 : memref<1x2048xf32, #tpu.memory_space<vmem_shared>> -> memref<2048xf32, #tpu.memory_space<vmem_shared>>
      %dma_wait3A_75 = arith.constant 0 : i32
      %dma_wait3A_76 = tpu.memref_slice %arg8[%dma_wait3A_75] : memref<2064xf32, #tpu.memory_space<vmem>> -> memref<2048xf32, #tpu.memory_space<vmem>>
      tpu.wait_dma2 semaphore(%run_scoped3A : memref<!tpu.dma_semaphore, #tpu.memory_space<semaphore_mem>>) src(%dma_wait3A_76 : memref<2048xf32, #tpu.memory_space<vmem>>) dst(%dma_wait3A_74 : memref<2048xf32, #tpu.memory_space<vmem_shared>>)
      tpu.yield
    }) : () -> ()
    %barrier3A = arith.constant 0 : index
    tpu.barrier barrier_id(%barrier3A)
    %mul3A_44 = arith.constant 128 : i32
    %mul3A_45 = arith.muli %arg1, %mul3A_44 : i32
    "tpu.region"() ({
      %run_scoped3A = tpu.sem_alloc : memref<!tpu.dma_semaphore, #tpu.memory_space<semaphore_mem>>
      %dma_start3A_57 = arith.constant 0 : i32
      %dma_start3A_58 = tpu.memref_slice %arg9[%dma_start3A_57, %mul3A_45] : memref<16x2048xf32, #tpu.memory_space<vmem_shared>> -> memref<16x128xf32, #tpu.memory_space<vmem_shared>>
      %dma_start3A_59 = arith.constant 0 : i32
      %dma_start3A_60 = tpu.memref_slice %arg9[%dma_start3A_59, %mul3A_45] : memref<16x2048xf32, #tpu.memory_space<vmem_shared>> -> memref<16x128xf32, #tpu.memory_space<vmem_shared>>
      tpu.enqueue_dma source(%dma_start3A_60 : memref<16x128xf32, #tpu.memory_space<vmem_shared>>) target(%arg10 : memref<16x128xf32, #tpu.memory_space<vmem>>) target_semaphore(%run_scoped3A : memref<!tpu.dma_semaphore, #tpu.memory_space<semaphore_mem>>)
      %dma_wait3A_61 = arith.constant 0 : i32
      %dma_wait3A_62 = tpu.memref_slice %arg9[%dma_wait3A_61, %mul3A_45] : memref<16x2048xf32, #tpu.memory_space<vmem_shared>> -> memref<16x128xf32, #tpu.memory_space<vmem_shared>>
      %dma_wait3A_63 = arith.constant 0 : i32
      %dma_wait3A_64 = tpu.memref_slice %arg9[%dma_wait3A_63, %mul3A_45] : memref<16x2048xf32, #tpu.memory_space<vmem_shared>> -> memref<16x128xf32, #tpu.memory_space<vmem_shared>>
      tpu.wait_dma2 semaphore(%run_scoped3A : memref<!tpu.dma_semaphore, #tpu.memory_space<semaphore_mem>>) src(%dma_wait3A_64 : memref<16x128xf32, #tpu.memory_space<vmem_shared>>) dst(%arg10 : memref<16x128xf32, #tpu.memory_space<vmem>>)
      tpu.yield
    }) : () -> ()
    %broadcast_in_dim3A_46 = arith.constant 2 : i32
    %broadcast_in_dim3A_47 = vector.broadcast %broadcast_in_dim3A_46 : i32 to vector<16xi32>
    %gather3A = tpu.vector_load_idx %arg12[%broadcast_in_dim3A_47] : memref<16xf32, #tpu.memory_space<vmem>>[vector<16xi32>], vector<16xf32>,
    %scan3A_48 = arith.constant 0 : i32
    %scan3A_49 = arith.constant 0 : i32
    %scan3A_50 = arith.constant 8 : i32
    %scan3A_51 = arith.addi %scan3A_49, %scan3A_50 : i32
    %scan3A_52 = arith.constant 1 : i32
    %scan3A_53 = scf.for %scan3A_57 = %scan3A_49 to %scan3A_51 step %scan3A_52 iter_args(%scan3A_58 = %scan3A_48) -> (i32)  : i32 {
      %mul3A_59 = arith.constant 16 : i32
      %mul3A_60 = arith.muli %scan3A_57, %mul3A_59 : i32
      %get3A = arith.constant 0 : i32
      %get3A_61 = arith.index_cast %get3A : i32 to index
      %get3A_62 = arith.index_cast %mul3A_60 : i32 to index
      %get3A_63 = tpu.vector_load %arg10[%get3A_61, %get3A_62] {strides = array<i32>} : memref<16x128xf32, #tpu.memory_space<vmem>>, vector<16xf32>,
      %add3A = arith.addf %gather3A, %get3A_63 : vector<16xf32>
      %mul3A_64 = arith.constant 16 : i32
      %mul3A_65 = arith.muli %scan3A_57, %mul3A_64 : i32
      %get3A_66 = arith.constant 1 : i32
      %get3A_67 = arith.index_cast %get3A_66 : i32 to index
      %get3A_68 = arith.index_cast %mul3A_65 : i32 to index
      %get3A_69 = tpu.vector_load %arg10[%get3A_67, %get3A_68] {strides = array<i32>} : memref<16x128xf32, #tpu.memory_space<vmem>>, vector<16xf32>,
      %add3A_70 = arith.addf %add3A, %get3A_69 : vector<16xf32>
      %mul3A_71 = arith.constant 16 : i32
      %mul3A_72 = arith.muli %scan3A_57, %mul3A_71 : i32
      %get3A_73 = arith.constant 2 : i32
      %get3A_74 = arith.index_cast %get3A_73 : i32 to index
      %get3A_75 = arith.index_cast %mul3A_72 : i32 to index
      %get3A_76 = tpu.vector_load %arg10[%get3A_74, %get3A_75] {strides = array<i32>} : memref<16x128xf32, #tpu.memory_space<vmem>>, vector<16xf32>,
      %add3A_77 = arith.addf %add3A_70, %get3A_76 : vector<16xf32>
      %mul3A_78 = arith.constant 16 : i32
      %mul3A_79 = arith.muli %scan3A_57, %mul3A_78 : i32
      %get3A_80 = arith.constant 3 : i32
      %get3A_81 = arith.index_cast %get3A_80 : i32 to index
      %get3A_82 = arith.index_cast %mul3A_79 : i32 to index
      %get3A_83 = tpu.vector_load %arg10[%get3A_81, %get3A_82] {strides = array<i32>} : memref<16x128xf32, #tpu.memory_space<vmem>>, vector<16xf32>,
      %add3A_84 = arith.addf %add3A_77, %get3A_83 : vector<16xf32>
      %mul3A_85 = arith.constant 16 : i32
      %mul3A_86 = arith.muli %scan3A_57, %mul3A_85 : i32
      %get3A_87 = arith.constant 4 : i32
      %get3A_88 = arith.index_cast %get3A_87 : i32 to index
      %get3A_89 = arith.index_cast %mul3A_86 : i32 to index
      %get3A_90 = tpu.vector_load %arg10[%get3A_88, %get3A_89] {strides = array<i32>} : memref<16x128xf32, #tpu.memory_space<vmem>>, vector<16xf32>,
      %add3A_91 = arith.addf %add3A_84, %get3A_90 : vector<16xf32>
      %mul3A_92 = arith.constant 16 : i32
      %mul3A_93 = arith.muli %scan3A_57, %mul3A_92 : i32
      %get3A_94 = arith.constant 5 : i32
      %get3A_95 = arith.index_cast %get3A_94 : i32 to index
      %get3A_96 = arith.index_cast %mul3A_93 : i32 to index
      %get3A_97 = tpu.vector_load %arg10[%get3A_95, %get3A_96] {strides = array<i32>} : memref<16x128xf32, #tpu.memory_space<vmem>>, vector<16xf32>,
      %add3A_98 = arith.addf %add3A_91, %get3A_97 : vector<16xf32>
      %mul3A_99 = arith.constant 16 : i32
      %mul3A_100 = arith.muli %scan3A_57, %mul3A_99 : i32
      %get3A_101 = arith.constant 6 : i32
      %get3A_102 = arith.index_cast %get3A_101 : i32 to index
      %get3A_103 = arith.index_cast %mul3A_100 : i32 to index
      %get3A_104 = tpu.vector_load %arg10[%get3A_102, %get3A_103] {strides = array<i32>} : memref<16x128xf32, #tpu.memory_space<vmem>>, vector<16xf32>,
      %add3A_105 = arith.addf %add3A_98, %get3A_104 : vector<16xf32>
      %mul3A_106 = arith.constant 16 : i32
      %mul3A_107 = arith.muli %scan3A_57, %mul3A_106 : i32
      %get3A_108 = arith.constant 7 : i32
      %get3A_109 = arith.index_cast %get3A_108 : i32 to index
      %get3A_110 = arith.index_cast %mul3A_107 : i32 to index
      %get3A_111 = tpu.vector_load %arg10[%get3A_109, %get3A_110] {strides = array<i32>} : memref<16x128xf32, #tpu.memory_space<vmem>>, vector<16xf32>,
      %add3A_112 = arith.addf %add3A_105, %get3A_111 : vector<16xf32>
      %mul3A_113 = arith.constant 16 : i32
      %mul3A_114 = arith.muli %scan3A_57, %mul3A_113 : i32
      %get3A_115 = arith.constant 8 : i32
      %get3A_116 = arith.index_cast %get3A_115 : i32 to index
      %get3A_117 = arith.index_cast %mul3A_114 : i32 to index
      %get3A_118 = tpu.vector_load %arg10[%get3A_116, %get3A_117] {strides = array<i32>} : memref<16x128xf32, #tpu.memory_space<vmem>>, vector<16xf32>,
      %add3A_119 = arith.addf %add3A_112, %get3A_118 : vector<16xf32>
      %mul3A_120 = arith.constant 16 : i32
      %mul3A_121 = arith.muli %scan3A_57, %mul3A_120 : i32
      %get3A_122 = arith.constant 9 : i32
      %get3A_123 = arith.index_cast %get3A_122 : i32 to index
      %get3A_124 = arith.index_cast %mul3A_121 : i32 to index
      %get3A_125 = tpu.vector_load %arg10[%get3A_123, %get3A_124] {strides = array<i32>} : memref<16x128xf32, #tpu.memory_space<vmem>>, vector<16xf32>,
      %add3A_126 = arith.addf %add3A_119, %get3A_125 : vector<16xf32>
      %mul3A_127 = arith.constant 16 : i32
      %mul3A_128 = arith.muli %scan3A_57, %mul3A_127 : i32
      %get3A_129 = arith.constant 10 : i32
      %get3A_130 = arith.index_cast %get3A_129 : i32 to index
      %get3A_131 = arith.index_cast %mul3A_128 : i32 to index
      %get3A_132 = tpu.vector_load %arg10[%get3A_130, %get3A_131] {strides = array<i32>} : memref<16x128xf32, #tpu.memory_space<vmem>>, vector<16xf32>,
      %add3A_133 = arith.addf %add3A_126, %get3A_132 : vector<16xf32>
      %mul3A_134 = arith.constant 16 : i32
      %mul3A_135 = arith.muli %scan3A_57, %mul3A_134 : i32
      %get3A_136 = arith.constant 11 : i32
      %get3A_137 = arith.index_cast %get3A_136 : i32 to index
      %get3A_138 = arith.index_cast %mul3A_135 : i32 to index
      %get3A_139 = tpu.vector_load %arg10[%get3A_137, %get3A_138] {strides = array<i32>} : memref<16x128xf32, #tpu.memory_space<vmem>>, vector<16xf32>,
      %add3A_140 = arith.addf %add3A_133, %get3A_139 : vector<16xf32>
      %mul3A_141 = arith.constant 16 : i32
      %mul3A_142 = arith.muli %scan3A_57, %mul3A_141 : i32
      %get3A_143 = arith.constant 12 : i32
      %get3A_144 = arith.index_cast %get3A_143 : i32 to index
      %get3A_145 = arith.index_cast %mul3A_142 : i32 to index
      %get3A_146 = tpu.vector_load %arg10[%get3A_144, %get3A_145] {strides = array<i32>} : memref<16x128xf32, #tpu.memory_space<vmem>>, vector<16xf32>,
      %add3A_147 = arith.addf %add3A_140, %get3A_146 : vector<16xf32>
      %mul3A_148 = arith.constant 16 : i32
      %mul3A_149 = arith.muli %scan3A_57, %mul3A_148 : i32
      %get3A_150 = arith.constant 13 : i32
      %get3A_151 = arith.index_cast %get3A_150 : i32 to index
      %get3A_152 = arith.index_cast %mul3A_149 : i32 to index
      %get3A_153 = tpu.vector_load %arg10[%get3A_151, %get3A_152] {strides = array<i32>} : memref<16x128xf32, #tpu.memory_space<vmem>>, vector<16xf32>,
      %add3A_154 = arith.addf %add3A_147, %get3A_153 : vector<16xf32>
      %mul3A_155 = arith.constant 16 : i32
      %mul3A_156 = arith.muli %scan3A_57, %mul3A_155 : i32
      %get3A_157 = arith.constant 14 : i32
      %get3A_158 = arith.index_cast %get3A_157 : i32 to index
      %get3A_159 = arith.index_cast %mul3A_156 : i32 to index
      %get3A_160 = tpu.vector_load %arg10[%get3A_158, %get3A_159] {strides = array<i32>} : memref<16x128xf32, #tpu.memory_space<vmem>>, vector<16xf32>,
      %add3A_161 = arith.addf %add3A_154, %get3A_160 : vector<16xf32>
      %mul3A_162 = arith.constant 16 : i32
      %mul3A_163 = arith.muli %scan3A_57, %mul3A_162 : i32
      %get3A_164 = arith.constant 15 : i32
      %get3A_165 = arith.index_cast %get3A_164 : i32 to index
      %get3A_166 = arith.index_cast %mul3A_163 : i32 to index
      %get3A_167 = tpu.vector_load %arg10[%get3A_165, %get3A_166] {strides = array<i32>} : memref<16x128xf32, #tpu.memory_space<vmem>>, vector<16xf32>,
      %add3A_168 = arith.addf %add3A_161, %get3A_167 : vector<16xf32>
      %mul3A_169 = arith.constant 16 : i32
      %mul3A_170 = arith.muli %scan3A_57, %mul3A_169 : i32
      %swap3A_171 = arith.index_cast %mul3A_170 : i32 to index
      %swap3A_172 = tpu.vector_load %arg11[%swap3A_171] {strides = array<i32>} : memref<128xf32, #tpu.memory_space<vmem>>, vector<16xf32>,
      tpu.vector_store %arg11[%swap3A_171], %add3A_168 {strides = array<i32>} : memref<128xf32, #tpu.memory_space<vmem>>, vector<16xf32>,
      %scan3A_173 = arith.constant 0 : i32
      scf.yield %scan3A_173 : i32
    }
    %scan3A_54 = arith.constant 8 : i32
    %mul3A_55 = arith.constant 128 : i32
    %mul3A_56 = arith.muli %arg1, %mul3A_55 : i32
    "tpu.region"() ({
      %run_scoped3A = tpu.sem_alloc : memref<!tpu.dma_semaphore, #tpu.memory_space<semaphore_mem>>
      %dma_start3A_57 = tpu.memref_slice %arg5[%mul3A_56] : memref<2048xf32, #tpu.memory_space<hbm>> -> memref<128xf32, #tpu.memory_space<hbm>>
      %dma_start3A_58 = tpu.memref_slice %arg5[%mul3A_56] : memref<2048xf32, #tpu.memory_space<hbm>> -> memref<128xf32, #tpu.memory_space<hbm>>
      tpu.enqueue_dma source(%arg11 : memref<128xf32, #tpu.memory_space<vmem>>) target(%dma_start3A_58 : memref<128xf32, #tpu.memory_space<hbm>>) target_semaphore(%run_scoped3A : memref<!tpu.dma_semaphore, #tpu.memory_space<semaphore_mem>>)
      %dma_wait3A_59 = tpu.memref_slice %arg5[%mul3A_56] : memref<2048xf32, #tpu.memory_space<hbm>> -> memref<128xf32, #tpu.memory_space<hbm>>
      %dma_wait3A_60 = tpu.memref_slice %arg5[%mul3A_56] : memref<2048xf32, #tpu.memory_space<hbm>> -> memref<128xf32, #tpu.memory_space<hbm>>
      tpu.wait_dma2 semaphore(%run_scoped3A : memref<!tpu.dma_semaphore, #tpu.memory_space<semaphore_mem>>) src(%arg11 : memref<128xf32, #tpu.memory_space<vmem>>) dst(%dma_wait3A_60 : memref<128xf32, #tpu.memory_space<hbm>>)
      tpu.yield
    }) : () -> ()
    return
  }
}

module attributes {stable_mosaic.version = 14 : i64} {
  func.func @_atom_scalar_body(%arg0: i32, %arg1: memref<16xf32, #tpu.memory_space<smem>>, %arg2: memref<4096xi32, #tpu.memory_space<vmem>>, %arg3: memref<3x4096xf32, #tpu.memory_space<vmem>>, %arg4: memref<100x128xf32, #tpu.memory_space<vmem>>, %arg5: memref<128x128xf32, #tpu.memory_space<vmem>>, %arg6: memref<3x128xf32, #tpu.memory_space<vmem>>, %arg7: memref<128x64xf32, #tpu.memory_space<vmem>>, %arg8: memref<64x1xf32, #tpu.memory_space<vmem>>, %arg9: memref<64x1xf32, #tpu.memory_space<vmem>>, %arg10: memref<4096xf32, #tpu.memory_space<vmem>>, %arg11: memref<100x128xf32, #tpu.memory_space<vmem>>) attributes {dimension_semantics = [#tpu.dimension_semantics<arbitrary>], iteration_bounds = array<i64: 25>, scalar_prefetch = 0 : i64, scratch_operands = 1 : i64, tpu.core_type = #tpu.core_type<tc>, window_params = [{transform_indices = @transform_0, window_bounds = array<i64: 16>}, {transform_indices = @transform_1, window_bounds = array<i64: 4096>}, {transform_indices = @transform_2, window_bounds = array<i64: 3, 4096>}, {pipeline_mode = #tpu.pipeline_mode<synchronous>, transform_indices = @transform_3, window_bounds = array<i64: 100, 128>}, {pipeline_mode = #tpu.pipeline_mode<synchronous>, transform_indices = @transform_4, window_bounds = array<i64: 128, 128>}, {pipeline_mode = #tpu.pipeline_mode<synchronous>, transform_indices = @transform_5, window_bounds = array<i64: 3, 128>}, {pipeline_mode = #tpu.pipeline_mode<synchronous>, transform_indices = @transform_6, window_bounds = array<i64: 128, 64>}, {pipeline_mode = #tpu.pipeline_mode<synchronous>, transform_indices = @transform_7, window_bounds = array<i64: 64, 1>}, {pipeline_mode = #tpu.pipeline_mode<synchronous>, transform_indices = @transform_8, window_bounds = array<i64: 64, 1>}, {transform_indices = @transform_9, window_bounds = array<i64: 4096>}]} {
    %eq3A = arith.constant 0 : i32
    %eq3A_0 = arith.cmpi eq, %arg0, %eq3A : i32
    %convert_element_type3A = arith.extui %eq3A_0 : i1 to i32
    %cond3A = arith.constant 0 : i32
    %cond3A_1 = arith.cmpi ne, %convert_element_type3A, %cond3A : i32
    scf.if %cond3A_1 {
      %get3A_73 = arith.constant 0 : index
      %get3A_74 = arith.constant 0 : index
      %get3A_75 = vector.load %arg4[%get3A_73, %get3A_74] : memref<100x128xf32, #tpu.memory_space<vmem>>, vector<100x128xf32>
      %get3A_76 = arith.constant 0 : index
      %get3A_77 = arith.constant 0 : index
      %get3A_78 = vector.load %arg5[%get3A_76, %get3A_77] : memref<128x128xf32, #tpu.memory_space<vmem>>, vector<128x128xf32>
      %dot_general3A_79 = arith.constant dense<0.000000e+00> : vector<100x128xf32>
      %dot_general3A_80 = tpu.matmul %get3A_75, %get3A_78, %dot_general3A_79 {dimension_numbers = #tpu.dot_dimension_numbers<[1], [0], [0], [1], [0, 0, 1, 1], [], []>, transpose_lhs_hint = false} : vector<100x128xf32>, vector<128x128xf32>, vector<100x128xf32> -> vector<100x128xf32>
      %swap3A_81 = arith.constant 0 : index
      %swap3A_82 = arith.constant 0 : index
      %swap3A_83 = vector.load %arg11[%swap3A_81, %swap3A_82] : memref<100x128xf32, #tpu.memory_space<vmem>>, vector<100x128xf32>
      tpu.vector_store %arg11[%swap3A_81, %swap3A_82], %dot_general3A_80 {strides = array<i32>} : memref<100x128xf32, #tpu.memory_space<vmem>>, vector<100x128xf32>,
    } else {
    }
    %get3A = arith.constant 0 : index
    %get3A_2 = vector.load %arg2[%get3A] : memref<4096xi32, #tpu.memory_space<vmem>>, vector<4096xi32>
    %iota3A = tpu.iota {dimensions = array<i32: 0>} : vector<100x4096xi32>
    %broadcast_in_dim3A = vector.shape_cast %get3A_2 : vector<4096xi32> to vector<1x4096xi32>
    %eq3A_3 = vector.broadcast %broadcast_in_dim3A : vector<1x4096xi32> to vector<100x4096xi32>
    %eq3A_4 = arith.cmpi eq, %iota3A, %eq3A_3 : vector<100x4096xi32>
    %convert_element_type3A_5 = arith.extui %eq3A_4 : vector<100x4096xi1> to vector<100x4096xi32>
    %convert_element_type3A_6 = arith.sitofp %convert_element_type3A_5 : vector<100x4096xi32> to vector<100x4096xf32>
    %get3A_7 = arith.constant 0 : index
    %get3A_8 = arith.constant 0 : index
    %get3A_9 = vector.load %arg11[%get3A_7, %get3A_8] : memref<100x128xf32, #tpu.memory_space<vmem>>, vector<100x128xf32>
    %dot_general3A = arith.constant dense<0.000000e+00> : vector<128x4096xf32>
    %dot_general3A_10 = tpu.matmul %get3A_9, %convert_element_type3A_6, %dot_general3A {dimension_numbers = #tpu.dot_dimension_numbers<[0], [0], [1], [1], [0, 1, 1, 1], [], []>, transpose_lhs_hint = true} : vector<100x128xf32>, vector<100x4096xf32>, vector<128x4096xf32> -> vector<128x4096xf32>
    %get3A_11 = arith.constant 0 : index
    %get3A_12 = arith.constant 0 : index
    %get3A_13 = vector.load %arg6[%get3A_11, %get3A_12] : memref<3x128xf32, #tpu.memory_space<vmem>>, vector<3x128xf32>
    %get3A_14 = arith.constant 0 : index
    %get3A_15 = arith.constant 0 : index
    %get3A_16 = vector.load %arg3[%get3A_14, %get3A_15] : memref<3x4096xf32, #tpu.memory_space<vmem>>, vector<3x4096xf32>
    %dot_general3A_17 = arith.constant dense<0.000000e+00> : vector<128x4096xf32>
    %dot_general3A_18 = tpu.matmul %get3A_13, %get3A_16, %dot_general3A_17 {dimension_numbers = #tpu.dot_dimension_numbers<[0], [0], [1], [1], [0, 1, 1, 1], [], []>, transpose_lhs_hint = true} : vector<3x128xf32>, vector<3x4096xf32>, vector<128x4096xf32> -> vector<128x4096xf32>
    %add3A = arith.addf %dot_general3A_10, %dot_general3A_18 : vector<128x4096xf32>
    %mul3A = arith.constant 5.000000e-01 : f32
    %mul3A_19 = vector.broadcast %mul3A : f32 to vector<128x4096xf32>
    %mul3A_20 = arith.mulf %add3A, %mul3A_19 : vector<128x4096xf32>
    %mul3A_21 = arith.constant 5.000000e-01 : f32
    %mul3A_22 = vector.broadcast %mul3A_21 : f32 to vector<128x4096xf32>
    %mul3A_23 = arith.mulf %add3A, %mul3A_22 : vector<128x4096xf32>
    %tanh3A = math.tanh %mul3A_23 : vector<128x4096xf32>
    %add3A_24 = arith.constant 1.000000e+00 : f32
    %add3A_25 = vector.broadcast %add3A_24 : f32 to vector<128x4096xf32>
    %add3A_26 = arith.addf %tanh3A, %add3A_25 : vector<128x4096xf32>
    %mul3A_27 = arith.mulf %mul3A_20, %add3A_26 : vector<128x4096xf32>
    %get3A_28 = arith.constant 0 : index
    %get3A_29 = arith.constant 0 : index
    %get3A_30 = vector.load %arg7[%get3A_28, %get3A_29] : memref<128x64xf32, #tpu.memory_space<vmem>>, vector<128x64xf32>
    %dot_general3A_31 = arith.constant dense<0.000000e+00> : vector<64x4096xf32>
    %dot_general3A_32 = tpu.matmul %get3A_30, %mul3A_27, %dot_general3A_31 {dimension_numbers = #tpu.dot_dimension_numbers<[0], [0], [1], [1], [0, 1, 1, 1], [], []>, transpose_lhs_hint = true} : vector<128x64xf32>, vector<128x4096xf32>, vector<64x4096xf32> -> vector<64x4096xf32>
    %get3A_33 = arith.constant 0 : index
    %get3A_34 = arith.constant 0 : index
    %get3A_35 = vector.load %arg8[%get3A_33, %get3A_34] : memref<64x1xf32, #tpu.memory_space<vmem>>, vector<64x1xf32>
    %add3A_36 = vector.broadcast %get3A_35 : vector<64x1xf32> to vector<64x4096xf32>
    %add3A_37 = arith.addf %dot_general3A_32, %add3A_36 : vector<64x4096xf32>
    %mul3A_38 = arith.constant 5.000000e-01 : f32
    %mul3A_39 = vector.broadcast %mul3A_38 : f32 to vector<64x4096xf32>
    %mul3A_40 = arith.mulf %add3A_37, %mul3A_39 : vector<64x4096xf32>
    %mul3A_41 = arith.constant 5.000000e-01 : f32
    %mul3A_42 = vector.broadcast %mul3A_41 : f32 to vector<64x4096xf32>
    %mul3A_43 = arith.mulf %add3A_37, %mul3A_42 : vector<64x4096xf32>
    %tanh3A_44 = math.tanh %mul3A_43 : vector<64x4096xf32>
    %add3A_45 = arith.constant 1.000000e+00 : f32
    %add3A_46 = vector.broadcast %add3A_45 : f32 to vector<64x4096xf32>
    %add3A_47 = arith.addf %tanh3A_44, %add3A_46 : vector<64x4096xf32>
    %mul3A_48 = arith.mulf %mul3A_40, %add3A_47 : vector<64x4096xf32>
    %get3A_49 = arith.constant 0 : index
    %get3A_50 = arith.constant 0 : index
    %get3A_51 = vector.load %arg9[%get3A_49, %get3A_50] : memref<64x1xf32, #tpu.memory_space<vmem>>, vector<64x1xf32>
    %mul3A_52 = vector.broadcast %get3A_51 : vector<64x1xf32> to vector<64x4096xf32>
    %mul3A_53 = arith.mulf %mul3A_48, %mul3A_52 : vector<64x4096xf32>
    %reduce_sum3A = arith.constant dense<0.000000e+00> : vector<4096xf32>
    %reduce_sum3A_54 = vector.multi_reduction <add>, %mul3A_53, %reduce_sum3A [0] : vector<64x4096xf32> to vector<4096xf32>
    %get3A_55 = arith.constant 1 : index
    %get3A_56 = memref.load %arg1[%get3A_55] : memref<16xf32, #tpu.memory_space<smem>>
    %add3A_57 = vector.broadcast %get3A_56 : f32 to vector<4096xf32>
    %add3A_58 = arith.addf %reduce_sum3A_54, %add3A_57 : vector<4096xf32>
    %get3A_59 = arith.constant 0 : index
    %get3A_60 = memref.load %arg1[%get3A_59] : memref<16xf32, #tpu.memory_space<smem>>
    %mul3A_61 = vector.broadcast %get3A_60 : f32 to vector<4096xf32>
    %mul3A_62 = arith.mulf %add3A_58, %mul3A_61 : vector<4096xf32>
    %iota3A_63 = tpu.iota {dimensions = array<i32: 1>} : vector<1x4096xi32>
    %iota3A_64 = vector.shape_cast %iota3A_63 : vector<1x4096xi32> to vector<4096xi32>
    %mul3A_65 = arith.constant 4096 : i32
    %mul3A_66 = arith.muli %arg0, %mul3A_65 : i32
    %add3A_67 = vector.broadcast %mul3A_66 : i32 to vector<4096xi32>
    %add3A_68 = arith.addi %iota3A_64, %add3A_67 : vector<4096xi32>
    %lt3A = arith.constant 100000 : i32
    %lt3A_69 = vector.broadcast %lt3A : i32 to vector<4096xi32>
    %lt3A_70 = arith.cmpi slt, %add3A_68, %lt3A_69 : vector<4096xi32>
    %jit3A = arith.constant 0.000000e+00 : f32
    %broadcast_in_dim3A_71 = vector.broadcast %jit3A : f32 to vector<4096xf32>
    %select_n3A = arith.select %lt3A_70, %mul3A_62, %broadcast_in_dim3A_71 : vector<4096xi1>, vector<4096xf32>
    %swap3A = arith.constant 0 : index
    %swap3A_72 = vector.load %arg10[%swap3A] : memref<4096xf32, #tpu.memory_space<vmem>>, vector<4096xf32>
    tpu.vector_store %arg10[%swap3A], %select_n3A {strides = array<i32>} : memref<4096xf32, #tpu.memory_space<vmem>>, vector<4096xf32>,
    return
  }
  func.func @transform_0(%arg0: i32) -> i32 {
    %c0_i32 = arith.constant 0 : i32
    %c0_i32_0 = arith.constant 0 : i32
    return %c0_i32 : i32
  }
  func.func @transform_1(%arg0: i32) -> i32 {
    %c0_i32 = arith.constant 0 : i32
    return %arg0 : i32
  }
  func.func @transform_2(%arg0: i32) -> (i32, i32) {
    %c0_i32 = arith.constant 0 : i32
    %c0_i32_0 = arith.constant 0 : i32
    return %c0_i32, %arg0 : i32, i32
  }
  func.func @transform_3(%arg0: i32) -> (i32, i32) {
    %c0_i32 = arith.constant 0 : i32
    %c0_i32_0 = arith.constant 0 : i32
    %c0_i32_1 = arith.constant 0 : i32
    return %c0_i32, %c0_i32_0 : i32, i32
  }
  func.func @transform_4(%arg0: i32) -> (i32, i32) {
    %c0_i32 = arith.constant 0 : i32
    %c0_i32_0 = arith.constant 0 : i32
    %c0_i32_1 = arith.constant 0 : i32
    return %c0_i32, %c0_i32_0 : i32, i32
  }
  func.func @transform_5(%arg0: i32) -> (i32, i32) {
    %c0_i32 = arith.constant 0 : i32
    %c0_i32_0 = arith.constant 0 : i32
    %c0_i32_1 = arith.constant 0 : i32
    return %c0_i32, %c0_i32_0 : i32, i32
  }
  func.func @transform_6(%arg0: i32) -> (i32, i32) {
    %c0_i32 = arith.constant 0 : i32
    %c0_i32_0 = arith.constant 0 : i32
    %c0_i32_1 = arith.constant 0 : i32
    return %c0_i32, %c0_i32_0 : i32, i32
  }
  func.func @transform_7(%arg0: i32) -> (i32, i32) {
    %c0_i32 = arith.constant 0 : i32
    %c0_i32_0 = arith.constant 0 : i32
    %c0_i32_1 = arith.constant 0 : i32
    return %c0_i32, %c0_i32_0 : i32, i32
  }
  func.func @transform_8(%arg0: i32) -> (i32, i32) {
    %c0_i32 = arith.constant 0 : i32
    %c0_i32_0 = arith.constant 0 : i32
    %c0_i32_1 = arith.constant 0 : i32
    return %c0_i32, %c0_i32_0 : i32, i32
  }
  func.func @transform_9(%arg0: i32) -> i32 {
    %c0_i32 = arith.constant 0 : i32
    return %arg0 : i32
  }
}

</mosaic_0001>

<sc_bundles>
// kernel: kernel.4.cloned.1.call-start
scs
__scs_entry_jumppad:
0x0: {  	(pc) =	sbr.rel $0x88, $3  }
0x1: {  	(tag) =	ssettag $0x0;
	lr =	simm.s32 $0x1  }
0x2: {  	[smem:$0x3F95] =	sst lr;
	_ =	strace $0xD0000000  }
0x3: {  	_ = 	snop  }
0x4: {  	_ = 	snop  }
0x5: {  	_ = 	snop  }
0x6: {  	_ = 	snop  }
0x7: {  	_ = 	snop  }
__scs_overlays_trampoline_lowered:
0x8: {  	[smem:$0x3FA4] =	sst s0  }
0x9: {  	[smem:$0x3FA5] =	sst s1  }
0xa: {  	[smem:$0x3FA6] =	sst s2  }
0xb: {  	[smem:$0x3FA7] =	sst s3  }
0xc: {  	[smem:$0x3FA8] =	sst s4  }
0xd: {  	[smem:$0x3FA9] =	sst s5  }
0xe: {  	[smem:$0x3FAA] =	sst s6  }
0xf: {  	[smem:$0x3FAB] =	sst s7  }
0x10: {  	[smem:$0x3FAC] =	sst s8  }
0x11: {  	[smem:$0x3FAD] =	sst s9;
	s0 =	simm.s32 @!p0 $0x0  }
0x12: {  	s1 =	sld [smem:$0x3F93];
	s0 =	simm.s32 @p0 $0x1  }
0x13: {  	[smem:$0x3FAE] =	sst s0;
	s0 =	simm.s32 @!p1 $0x0  }
0x14: {  	s2 =	sld [smem:$0x3F92];
	s0 =	simm.s32 @p1 $0x1  }
0x15: {  	[smem:$0x3FAF] =	sst s0;
	s0 =	simm.s32 @!p2 $0x0  }
0x16: {  	s3 =	sld [smem:$0x3FDB];
	s0 =	simm.s32 @p2 $0x1  }
0x17: {  	s4 =	simm.s32 $0x1BF5;
	[smem:$0x3FB1] =	sst s0  }
0x18: {  	s0 =	sld [smem:$0x3F94];
	_ =	swait.ge [sflag:s4], $0x0  }
0x19: {  	s7 =	sld [smem:$0x3F95]  }
0x1a: {  	s8 =	sadd.s32 $0xFFFFE003, lr  }
0x1b: {  	s9 =	sadd.s32 $0xFFFFFEF7, lr;
	s5 =	simm.s32 $0xFFFFFFFF;
	p2 =	slt.u32 s8, $0xFFFFF086  }
0x1c: {  	p1 =	slt.u32 s9, $0xF7A;
	s5 =	simm.s32 @!p2 $0x0  }
0x1d: {  	s5 =	simm.s32 @p1 $0x1;
	p0 =	seq.s32 s7, s2  }
0x1e: {  	s7 =	smul.u32 @!p0 $0xF7A, s2;
	p2 =	seq.s32 @!p0 s5, $0x0  }
0x1f: {  	s9 =	smul.u32 $0xF7A, s1;
	s8 =	simm.s32 @!p0 $0x1BF5;
	p2 =	por !p2, p0  }
0x20: {  	[sflag:s8] =	ssyncset.s32 @!p0 $0xFFFFF086;
	s6 =	sadd.s32 @!p0 s3, s7;
	s7 =	simm.s32 @!p0 $0x108  }
0x21: {  	s3 =	sadd.s32 s3, s9;
	s6 =	sadd.s32 @!p0 $0x88, s6;
	s7 =	simm.s32 @p2 $0x1082  }
0x22: {  	[simem:s7], [sflag:s8] =	dma.local @!p0 [hbm:s6], $0xF7A  }
0x23: {  	s9 =	sor.u32 $0xD0000000, s2;
	s6 =	simm.s32 $0x108;
	_ =	swait.ge @!p0 [sflag:s8], $0x0  }
0x24: {  	s3 =	sadd.s32 $0x88, s3;
	s6 =	simm.s32 @!p1 $0x1082;
	[sflag:s4] =	ssyncset.s32 $0xFFFFF086  }
0x25: {  	[simem:s6], [sflag:s4] =	dma.local [hbm:s3], $0xF7A  }
0x26: {  	[smem:$0x3F95] =	sst s1;
	(tag) =	ssettag s2;
	_ =	strace s9  }
0x27: {  	s1 =	sld [smem:$0x3FA5]  }
0x28: {  	s2 =	sld [smem:$0x3FA6]  }
0x29: {  	s4 =	sld [smem:$0x3FA8]  }
0x2a: {  	p0 =	seq.s32 s5, $0x0;
	s5 =	sld [smem:$0x3FA9]  }
0x2b: {  	s6 =	sld [smem:$0x3FAA]  }
0x2c: {  	s7 =	sld [smem:$0x3FAB]  }
0x2d: {  	s3 =	simm.s32 $0x108;
	s8 =	sld [smem:$0x3FAC]  }
0x2e: {  	s3 =	simm.s32 @!p0 $0x1082;
	s9 =	sld [smem:$0x3FAD]  }
0x2f: {  	lr =	sadd.s32 s0, s3;
	s0 =	sld [smem:$0x3FA4]  }
0x30: {  	s3 =	sld [smem:$0x3FA7]  }
0x31: {  	[smem:$0x3FB0] =	sst s10  }
0x32: {  	s10 =	sld [smem:$0x3FAE];
	_ =	sdelay $0x3  }
0x33: {  	p0 =	seq.s32 s10, $0x1;
	s10 =	sld [smem:$0x3FB0];
	_ =	sdelay $0x3  }
0x34: {  	[smem:$0x3FB0] =	sst s10  }
0x35: {  	s10 =	sld [smem:$0x3FAF];
	_ =	sdelay $0x3  }
0x36: {  	p1 =	seq.s32 s10, $0x1;
	s10 =	sld [smem:$0x3FB0];
	_ =	sdelay $0x3  }
0x37: {  	[smem:$0x3FB0] =	sst s10  }
0x38: {  	s10 =	sld [smem:$0x3FB1]  }
0x39: {  	_ = 	snop;
	(pc) =	sbr.ind lr, $3  }
0x3a: {  	_ = 	snop  }
0x3b: {  	_ = 	snop  }
0x3c: {  	p2 =	seq.s32 s10, $0x1;
	s10 =	sld [smem:$0x3FB0]  }
0x3d: {  	_ =	shalt  }
0x3e: {  	_ =	shalt  }
0x3f: {  	_ =	shalt  }
0x40: {  	_ =	shalt  }
0x41: {  	_ =	shalt  }
0x42: {  	_ =	shalt  }
0x43: {  	_ =	shalt  }
0x44: {  	_ =	shalt  }
0x45: {  	_ =	shalt  }
0x46: {  	_ =	shalt  }
0x47: {  	_ =	shalt  }
0x48: {  	_ =	shalt  }
0x49: {  	_ =	shalt  }
0x4a: {  	_ =	shalt  }
0x4b: {  	_ =	shalt  }
0x4c: {  	_ =	shalt  }
0x4d: {  	_ =	shalt  }
0x4e: {  	_ =	shalt  }
0x4f: {  	_ =	shalt  }
0x50: {  	_ =	shalt  }
0x51: {  	_ =	shalt  }
0x52: {  	_ =	shalt  }
0x53: {  	_ =	shalt  }
0x54: {  	_ =	shalt  }
0x55: {  	_ =	shalt  }
0x56: {  	_ =	shalt  }
0x57: {  	_ =	shalt  }
0x58: {  	_ =	shalt  }
0x59: {  	_ =	shalt  }
0x5a: {  	_ =	shalt  }
0x5b: {  	_ =	shalt  }
0x5c: {  	_ =	shalt  }
0x5d: {  	_ =	shalt  }
0x5e: {  	_ =	shalt  }
0x5f: {  	_ =	shalt  }
0x60: {  	_ =	shalt  }
0x61: {  	_ =	shalt  }
0x62: {  	_ =	shalt  }
0x63: {  	_ =	shalt  }
0x64: {  	_ =	shalt  }
0x65: {  	_ =	shalt  }
0x66: {  	_ =	shalt  }
0x67: {  	_ =	shalt  }
0x68: {  	_ =	shalt  }
0x69: {  	_ =	shalt  }
0x6a: {  	_ =	shalt  }
0x6b: {  	_ =	shalt  }
0x6c: {  	_ =	shalt  }
0x6d: {  	_ =	shalt  }
0x6e: {  	_ =	shalt  }
0x6f: {  	_ =	shalt  }
0x70: {  	_ =	shalt  }
0x71: {  	_ =	shalt  }
0x72: {  	_ =	shalt  }
0x73: {  	_ =	shalt  }
0x74: {  	_ =	shalt  }
0x75: {  	_ =	shalt  }
0x76: {  	_ =	shalt  }
0x77: {  	_ =	shalt  }
0x78: {  	_ =	shalt  }
0x79: {  	_ =	shalt  }
0x7a: {  	_ =	shalt  }
0x7b: {  	_ =	shalt  }
0x7c: {  	_ =	shalt  }
0x7d: {  	_ =	shalt  }
0x7e: {  	_ =	shalt  }
0x7f: {  	_ =	shalt  }
0x80: {  	_ =	shalt  }
0x81: {  	_ =	shalt  }
0x82: {  	_ =	shalt  }
0x83: {  	_ =	shalt  }
0x84: {  	_ =	shalt  }
0x85: {  	_ =	shalt  }
0x86: {  	_ =	shalt  }
0x87: {  	_ =	shalt  }
.Lfunc_end0:
.L_simem_size_0:
called_computation_lowered:
.L_overlay_start_0:
0x88: {  	s0 =	sld [smem:$0x3FD9]  }
0x89: {  	s1 =	sld [smem:$0x3FFE];
	_ =	sdelay $0x3  }
0x8a: {  	s0 =	sadd.s32 s1, s0  }
0x8b: {  	[smem:$0x3FBC] =	sst s0  }
0x8c: {  	_ = 	snop  }
0x8d: {  	s0 =	sld [smem:$0x3FC7]  }
0x8e: {  	s16 =	sld [smem:$0x3FD0];
	(tm) =	ssettm $0x1  }
0x8f: {  	s2 =	sld [smem:$0x3FFB];
	_ =	sdelay $0x3  }
0x90: {  	_ =	strace s2  }
0x91: {  	s2 =	sld [smem:$0x3FFC];
	_ =	sdelay $0x3  }
0x92: {  	_ =	strace s2  }
0x93: {  	s2 =	sld [smem:$0x3FFD];
	_ =	sdelay $0x3  }
0x94: {  	_ =	strace s2  }
0x95: {  	_ =	strace $0x8FFFFFFF  }
0x96: {  	s17 =	sld [smem:$0x3FDB];
	_ =	sdelay $0x1  }
0x97: {  	s3 =	simm.s32 $_scs_section_size  }
0x98: {  	s4 =	simm.s32 $_size__tile_overlayer_lowered;
	s5 =	simm.s32 $_tile_overlayer_lowered  }
0x99: {  	s20 =	simm.s32 $0x1BFF;
	s19 =	sshll.u32 s5, $0x1;
	s2 =	sadd.s32 s3, s17  }
0x9a: {  	s6 =	simm.s32 $0x0;
	s18 =	sshll.u32 s4, $0x1;
	s4 =	sadd.s32 s19, s2  }
0x9b: {  	[timem:s6], [sflag:s20] =	dma.local [hbm:s4], s18  }
0x9c: {  	_ =	swait.ge [sflag:s20], s18  }
0x9d: {  	s3 =	ssub.s32 $0x0, s18;
	[sflag:s20] =	ssyncset.done $0x0  }
0x9e: {  	[sflag:s20] =	ssyncadd.s32 s3;
	_ =	sdelay $0x1  }
0x9f: {  	s21 =	simm.s32 $0x1B8B  }
0xa0: {  	_ =	swait.ge [sflag:s21], $0x1  }
0xa1: {  	[sflag:s21] =	ssyncset.done $0x0  }
0xa2: {  	s23 =	simm.s32 $0x1B8E;
	s22 =	sld [smem:$0x3FFE];
	[sflag:s21] =	ssyncadd.s32 $0xFFFFFFFF  }
0xa3: {  	s24 =	simm.s32 $execute0_lowered;
	[smem:$0x3FD2] =	sst s23  }
0xa4: {  	s4 =	sshll.u32 s24, $0x1;
	_ =	strace $0x80000046;
	[dreg:$0x1] =	wrdreg $0xFFFFFFFF  }
0xa5: {  	s25 =	simm.s32 $_size_execute0_lowered;
	s2 =	sadd.s32 s2, s4;
	[dreg:$0x0] =	wrdreg $0x0  }
0xa6: {  	s4 =	sshll.u32 s25, $0x1;
	[dreg:$0x2] =	wrdreg s2  }
0xa7: {  	[dreg:$0x3] =	wrdreg s4  }
0xa8: {  	[dreg:$0x4] =	wrdreg $0xC0  }
0xa9: {  	_ =	task [dreg:s6], $0x5FFFF  }
0xaa: {  	[dreg:$0x1] =	wrdreg $0xFFFFFFFF  }
0xab: {  	[dreg:$0x0] =	wrdreg $0x60  }
0xac: {  	[dreg:$0x2] =	wrdreg s22  }
0xad: {  	[dreg:$0x3] =	wrdreg s0  }
0xae: {  	[dreg:$0x4] =	wrdreg s16  }
0xaf: {  	[dreg:$0x5] =	wrdreg $0x3B000  }
0xb0: {  	[dreg:$0x6] =	wrdreg $0x9  }
0xb1: {  	_ =	task.clear_ibuf [dreg:s6], $0x7FFFF;
	_ =	strace $0x90000046  }
0xb2: {  	s26 =	simm.s32 $0x9;
	_ =	strace $0x80000048  }
0xb3: {  	_ =	swait.ge [sflag:s26], $0x1  }
0xb4: {  	[sflag:s26] =	ssyncadd.s32 $0xFFFFFFFF  }
0xb5: {  	_ =	strace $0x90000048  }
0xb6: {  	_ =	sfence  }
0xb7: {  	s28 =	sld [smem:$0x0];
	_ =	sdelay $0x1  }
0xb8: {  	s29 =	srdreg.scid  }
0xb9: {  	s30 =	sshll.u32 s29, $0xD;
	s31 =	sshrl.u32 s29, $0x2  }
0xba: {  	s1 =	sand.u32 $0x1, s29;
	s2 =	sand.u32 $0x4000, s30;
	s0 =	sadd.s32 s31, s28  }
0xbb: {  	s1 =	sor.u32 s2, s1;
	s0 =	sshll.u32 s0, $0x11  }
0xbc: {  	s0 =	sor.u32 s0, s1  }
0xbd: {  	s0 =	sadd.s32 $0x8F2B, s0  }
0xbe: {  	[sflag:s0] =	ssyncadd.remote.s32 $0x1  }
0xbf: {  	_ =	sfence.sel $0xFFFF  }
0xc0: {  	[dreg:$0x0] =	wrdreg $0xFFFFFFFF;
	(pc) =	sbr.abs _section_cstart, $3  }
0xc1: {  	[dreg:$0x1] =	wrdreg $0xFFFFFFFF  }
0xc2: {  	_ =	task.clear_ibuf [dreg:s6], $0x2FFFF;
	_ =	strace $0x9FFFFFFF  }
0xc3: {  	(tm) =	ssettm $0x7FFFFFFF  }
tec
execute0_lowered:
.L_overlay_start_1:
0x0: {  	(tag) =	ssettag $0x1  }
0x1: {  	s2 =	rddreg [dreg:$0x0]  }
0x2: {  	s3 =	rddreg [dreg:$0x1];
	s0 =	stileid.u32  }
0x3: {  	s6 =	rddreg [dreg:$0x2];
	s4 =	smul.u32 $0x1900, s0  }
0x4: {  	s7 =	rddreg [dreg:$0x3]  }
0x5: {  	s1 =	rddreg [dreg:$0x4];
	s5 =	simm.s32 $0x0;
	s8 =	sshrl.u32 s4, $0x3  }
0x6: {  	[smem:$0x7FF] =	sst s5;
	s9 =	sadd.s32 s8, s2  }
0x7: {  	p0 =	seq.s32 s0, $0xF;
	_ =	strace $0x80000047;
	s9 =	sadd.s32 $0x1400, s9  }
0x8: {  	[tilespmem:s5], [sflag:$0x1] =	stream.linear.gather [hbm4b:s9+s5], $0x1900, $0x38;
	[tilespmem:$0x4C00] =	vst v63  }
0x9: {  	s10 =	simm.s32 @p0 $0x0;
	s11 =	simm.s32 @p0 $0x1900;
	s9 =	sadd.s32 @p0 $0x2EE0, s3  }
0xa: {  	[tilespmem:s11], [sflag:$0x2] =	stream.linear.gather @p0 [hbm4b:s9+s10], $0xFA0, $0x38;
	[tilespmem:$0x4C00] =	vst v63  }
0xb: {  	s3 =	sadd.s32 @!p0 s3, s8;
	s8 =	simm.s32 @!p0 $0x0;
	s9 =	simm.s32 @!p0 $0x1900  }
0xc: {  	[tilespmem:s9], [sflag:$0x2] =	stream.linear.gather @!p0 [hbm4b:s3+s8], $0x1910, $0x38;
	[tilespmem:$0x4C00] =	vst v63  }
0xd: {  	s25 =	simm.s32 $0x4B80;
	s24 =	sshll.u32 s0, $0xB;
	s2 =	sadd.s32 $0x1200, s2  }
0xe: {  	v0 =	vlaneseq.u32;
	[tilespmem:s25], [sflag:$0x3] =	stream.linear.gather [hbm4b:s2+s5], $0x80, $0x38;
	[tilespmem:$0x4C00] =	vst v63  }
0xf: {  	v3 =	vimm.f32 $0.0e+00;
	v1 =	vmul.u32 $0xFFFFFFFF, v0;
	s28 =	sshll.u32 s0, $0x7;
	s26 =	sand.u32 $0x4000, s24;
	s5 =	simm.s32 $0x32A0  }
0x10: {  	s30 =	sshll.u32 s0, $0xA;
	s3 =	sand.u32 $0x380, s28;
	s2 =	sadd.s32 s26, s7;
	[tilespmem:s5+$0xFFFFFFE0] =	vst v3  }
0x11: {  	s31 =	sshll.u32 s0, $0x4;
	s29 =	ssub.s32 $0x186A0, s4;
	v2 =	vadd.s32 $0xFFFFFFFF, v1;
	s4 =	sadd.s32 s3, s2;
	[tilespmem:s5+$0x10] =	vst v3  }
0x12: {  	v0 =	vmov s29;
	v1 =	vadd.s32 s29, v1;
	v2 =	vadd.s32 s29, v2;
	s3 =	sadd.s32 s30, s7;
	s2 =	sadd.s32 s6, s31;
	s6 =	simm.s32 $0x0;
	[tilespmem:s5+$0x0] =	vst v3  }
.LBB2_1:
0x13: {  	s6 =	sadd.s32 $0x4, s6  }
0x14: {  	[tilespmem:s5+$0xFFFFFFF0] =	vst v3;
	s5 =	sadd.s32 $0x40, s5;
	p1 =	slt.u32 s6, $0x7C  }
.Ltmp0:
0x15: {  	[tilespmem:s5+$0xFFFFFFE0] =	vst v3;
	(pc) =	sbr.rel @p1 .LBB2_1-.Ltmp0, $3  }
0x16: {  	_ =	sdelay $0x1  }
0x17: {  	[tilespmem:s5+$0x10] =	vst v3  }
0x18: {  	[tilespmem:s5+$0x0] =	vst v3  }
0x19: {  	[tilespmem:s5+$0xFFFFFFF0] =	vst v3;
	v3 =	vimm.f32 $0.0e+00  }
0x1a: {  	s28 =	simm.s32 $0x1;
	[tilespmem:$0x3A80] =	vst v3  }
0x1b: {  	_ =	swait.ge [sflag:s28], $0x1900  }
0x1c: {  	[sflag:s28] =	ssyncset.done $0x0  }
0x1d: {  	s5 =	simm.s32 @p0 $0x2;
	[sflag:s28] =	ssyncadd.s32 $0xFFFFE700  }
0x1e: {  	_ =	swait.ge @p0 [sflag:s5], $0xFA0  }
0x1f: {  	[sflag:s5] =	ssyncset.done @p0 $0x0  }
0x20: {  	[sflag:s5] =	ssyncadd.s32 @p0 $0xFFFFF060;
	s5 =	simm.s32 @!p0 $0x2  }
0x21: {  	_ =	swait.ge @!p0 [sflag:s5], $0x1910  }
0x22: {  	[sflag:s5] =	ssyncset.done @!p0 $0x0  }
0x23: {  	s29 =	simm.s32 $0x3;
	[sflag:s5] =	ssyncadd.s32 @!p0 $0xFFFFE6F0  }
0x24: {  	_ =	swait.ge [sflag:s29], $0x80  }
0x25: {  	[sflag:s29] =	ssyncset.done $0x0  }
0x26: {  	v3 =	vimm.s32 $0x800;
	[sflag:s29] =	ssyncadd.s32 $0xFFFFFF80  }
0x27: {  	s5 =	simm.s32 $0x20;
	[tilespmem:$0x3200] =	vst v3  }
0x28: {  	v3 =	vld [tilespmem:s5+$0xFFFFFFE0];
	_ =	sdelay $0x4  }
0x29: {  	s8 =	simm.s32 $0x1920;
	(xrf2) =	vadd.scan.msk.f32 $0xffff, v3  }
0x2a: {  	v4 =	vld [tilespmem:s8+$0xFFFFFFE0]  }
0x2b: {  	v3 =	vld [tilespmem:s8+$0xFFFFFFE1]  }
0x2c: {  	s6 =	simm.s32 $0x0  }
0x2d: {  	v5 =	vmov s6  }
0x2e: {  	vm0 =	vlt.u32 v5, v2;
	vm1 =	vgt.u32 v5, $0x18FF  }
0x2f: {  	vm2 =	vlt.u32 v5, v1;
	vm0 =	vmor vm1, vm0  }
0x30: {  	v4 =	vnsel vm2, $0x7FF, v4;
	v3 =	vnsel vm0, $0x7FF, v3  }
0x31: {  	vm0 =	vne.s32 v4, v3;
	_ =	sdelay $0x1  }
0x32: {  	s7 =	simm.f32 $0.0e+00;
	v5, _, _ =	vpop (xrf2)  }
0x33: {  	v5 =	vadd.f32 s7, v5;
	_ =	sdelay $0x1  }
0x34: {  	s7 =	simm.s32 $0x3280;
	v6 =	vsub.f32 $0.0e+00, v5  }
0x35: {  	[tilespmem:v4+s7+$0x0] =	vst.idx.add.f32.msk vm0, v5  }
0x36: {  	[tilespmem:v3+s7+$0x0] =	vst.idx.add.f32.msk vm0, v6  }
0x37: {  	v3 =	vld [tilespmem:s5+$0xFFFFFFF0];
	_ =	sdelay $0x4  }
0x38: {  	(xrf2) =	vadd.scan.msk.f32 $0xffff, v3  }
0x39: {  	v4 =	vld [tilespmem:s8+$0xFFFFFFF1]  }
0x3a: {  	v6 =	vld [tilespmem:s8+$0xFFFFFFF0];
	v3 =	vlaneseq.u32  }
0x3b: {  	s9 =	simm.s32 $0x10;
	v3 =	vadd.s32 $0x1, v3  }
0x3c: {  	v7 =	vadd.s32 s9, v3  }
0x3d: {  	v8 =	vmov s9;
	vm0 =	vlt.u32 v7, v0;
	vm1 =	vgt.u32 v7, $0x18FF  }
0x3e: {  	vm2 =	vlt.u32 v8, v1;
	vm0 =	vmor vm0, vm1  }
0x3f: {  	v6 =	vnsel vm2, $0x7FF, v6;
	v4 =	vnsel vm0, $0x7FF, v4  }
0x40: {  	vm0 =	vne.s32 v6, v4  }
0x41: {  	v5 =	vbroadcast v5, $0xF  }
0x42: {  	v7, _, _ =	vpop (xrf2)  }
0x43: {  	v5 =	vadd.f32 v7, v5;
	_ =	sdelay $0x1  }
0x44: {  	v7 =	vsub.f32 $0.0e+00, v5  }
0x45: {  	[tilespmem:v6+s7+$0x0] =	vst.idx.add.f32.msk vm0, v5  }
0x46: {  	[tilespmem:v4+s7+$0x0] =	vst.idx.add.f32.msk vm0, v7  }
0x47: {  	v4 =	vld [tilespmem:s5+$0x0];
	_ =	sdelay $0x4  }
0x48: {  	(xrf2) =	vadd.scan.msk.f32 $0xffff, v4  }
0x49: {  	v6 =	vld [tilespmem:s8+$0x0]  }
0x4a: {  	v4 =	vld [tilespmem:s8+$0x1]  }
0x4b: {  	s30 =	simm.s32 $0x20  }
0x4c: {  	v7 =	vmov s30  }
0x4d: {  	vm0 =	vlt.u32 v7, v2;
	vm1 =	vgt.u32 v7, $0x18FF  }
0x4e: {  	vm2 =	vlt.u32 v7, v1;
	vm0 =	vmor vm1, vm0  }
0x4f: {  	v6 =	vnsel vm2, $0x7FF, v6;
	v4 =	vnsel vm0, $0x7FF, v4  }
0x50: {  	vm0 =	vne.s32 v6, v4  }
0x51: {  	v5 =	vbroadcast v5, $0xF  }
0x52: {  	v7, _, _ =	vpop (xrf2)  }
0x53: {  	v5 =	vadd.f32 v7, v5;
	_ =	sdelay $0x1  }
0x54: {  	v7 =	vsub.f32 $0.0e+00, v5  }
0x55: {  	[tilespmem:v6+s7+$0x0] =	vst.idx.add.f32.msk vm0, v5  }
0x56: {  	[tilespmem:v4+s7+$0x0] =	vst.idx.add.f32.msk vm0, v7  }
0x57: {  	v4 =	vld [tilespmem:s5+$0x10];
	_ =	sdelay $0x4  }
0x58: {  	(xrf2) =	vadd.scan.msk.f32 $0xffff, v4  }
0x59: {  	v6 =	vld [tilespmem:s8+$0x10]  }
0x5a: {  	v4 =	vld [tilespmem:s8+$0x11]  }
0x5b: {  	s31 =	simm.s32 $0x30  }
0x5c: {  	v7 =	vadd.s32 s31, v3  }
0x5d: {  	v63 =	vmov s31;
	vm0 =	vlt.u32 v7, v0;
	vm1 =	vgt.u32 v7, $0x18FF  }
0x5e: {  	vm2 =	vlt.u32 v63, v1;
	vm0 =	vmor vm0, vm1  }
0x5f: {  	v6 =	vnsel vm2, $0x7FF, v6;
	v4 =	vnsel vm0, $0x7FF, v4  }
0x60: {  	vm0 =	vne.s32 v6, v4  }
0x61: {  	v5 =	vbroadcast v5, $0xF  }
0x62: {  	v7, _, _ =	vpop (xrf2)  }
0x63: {  	v7 =	vadd.f32 v7, v5;
	_ =	sdelay $0x1  }
0x64: {  	v5 =	vsub.f32 $0.0e+00, v7;
	(v2sf) =	vpush v7, $0xF  }
0x65: {  	s9 =	simm.s32 $0x1960;
	s8 =	simm.s32 $0x0;
	[tilespmem:v6+s7+$0x0] =	vst.idx.add.f32.msk vm0, v7  }
.LBB2_3:
0x66: {  	s8 =	sadd.s32 $0x4, s8;
	[tilespmem:v4+s7+$0x0] =	vst.idx.add.f32.msk vm0, v5;
	s6 =	sadd.s32 $0x40, s6;
	s5 =	sadd.s32 $0x40, s5  }
0x67: {  	v4 =	vld [tilespmem:s5+$0xFFFFFFE0];
	p0 =	slt.u32 s8, $0x18C;
	_ =	sdelay $0x4  }
0x68: {  	(xrf2) =	vadd.scan.msk.f32 $0xffff, v4  }
0x69: {  	v4 =	vld [tilespmem:s9+$0xFFFFFFE1]  }
0x6a: {  	v5 =	vld [tilespmem:s9+$0xFFFFFFE0];
	_ =	sdelay $0x1  }
0x6b: {  	v6 =	vmov s6  }
0x6c: {  	vm0 =	vlt.u32 v6, v2;
	vm1 =	vgt.u32 v6, $0x18FF  }
0x6d: {  	vm2 =	vlt.u32 v6, v1;
	vm0 =	vmor vm1, vm0  }
0x6e: {  	v4 =	vnsel vm0, $0x7FF, v4;
	v5 =	vnsel vm2, $0x7FF, v5;
	s10 =	spop (v2sf)  }
0x6f: {  	vm0 =	vne.s32 v5, v4;
	_ =	sdelay $0x1  }
0x70: {  	v6, _, _ =	vpop (xrf2)  }
0x71: {  	v6 =	vadd.f32 s10, v6;
	_ =	sdelay $0x1  }
0x72: {  	v7 =	vsub.f32 $0.0e+00, v6  }
0x73: {  	[tilespmem:v5+s7+$0x0] =	vst.idx.add.f32.msk vm0, v6  }
0x74: {  	[tilespmem:v4+s7+$0x0] =	vst.idx.add.f32.msk vm0, v7  }
0x75: {  	v4 =	vld [tilespmem:s5+$0xFFFFFFF0];
	_ =	sdelay $0x4  }
0x76: {  	(xrf2) =	vadd.scan.msk.f32 $0xffff, v4  }
0x77: {  	v4 =	vld [tilespmem:s9+$0xFFFFFFF1]  }
0x78: {  	v5 =	vld [tilespmem:s9+$0xFFFFFFF0]  }
0x79: {  	s10 =	sadd.s32 $0x10, s6  }
0x7a: {  	v8 =	vadd.s32 s10, v3;
	v7 =	vmov s10  }
0x7b: {  	vm1 =	vgt.u32 v8, $0x18FF;
	vm0 =	vlt.u32 v8, v0  }
0x7c: {  	vm2 =	vlt.u32 v7, v1;
	vm0 =	vmor vm0, vm1  }
0x7d: {  	v4 =	vnsel vm0, $0x7FF, v4;
	v5 =	vnsel vm2, $0x7FF, v5  }
0x7e: {  	vm0 =	vne.s32 v5, v4  }
0x7f: {  	v6 =	vbroadcast v6, $0xF  }
0x80: {  	v7, _, _ =	vpop (xrf2)  }
0x81: {  	v6 =	vadd.f32 v7, v6;
	_ =	sdelay $0x1  }
0x82: {  	v7 =	vsub.f32 $0.0e+00, v6  }
0x83: {  	[tilespmem:v5+s7+$0x0] =	vst.idx.add.f32.msk vm0, v6  }
0x84: {  	[tilespmem:v4+s7+$0x0] =	vst.idx.add.f32.msk vm0, v7  }
0x85: {  	v4 =	vld [tilespmem:s5+$0x0];
	_ =	sdelay $0x4  }
0x86: {  	v5 =	vld [tilespmem:s9+$0x1];
	(xrf2) =	vadd.scan.msk.f32 $0xffff, v4  }
0x87: {  	v4 =	vld [tilespmem:s9+$0x0]  }
0x88: {  	s10 =	sadd.s32 $0x20, s6  }
0x89: {  	v7 =	vmov s10  }
0x8a: {  	vm0 =	vlt.u32 v7, v2;
	vm1 =	vgt.u32 v7, $0x18FF  }
0x8b: {  	vm2 =	vlt.u32 v7, v1;
	vm0 =	vmor vm1, vm0  }
0x8c: {  	v5 =	vnsel vm0, $0x7FF, v5;
	v4 =	vnsel vm2, $0x7FF, v4  }
0x8d: {  	vm0 =	vne.s32 v4, v5;
	_ =	sdelay $0x1  }
0x8e: {  	v6 =	vbroadcast v6, $0xF  }
0x8f: {  	v7, _, _ =	vpop (xrf2)  }
0x90: {  	v6 =	vadd.f32 v7, v6;
	_ =	sdelay $0x1  }
0x91: {  	[tilespmem:v4+s7+$0x0] =	vst.idx.add.f32.msk vm0, v6;
	v4 =	vsub.f32 $0.0e+00, v6;
	_ =	sdelay $0x1  }
0x92: {  	[tilespmem:v5+s7+$0x0] =	vst.idx.add.f32.msk vm0, v4  }
0x93: {  	v4 =	vld [tilespmem:s5+$0x10]  }
0x94: {  	v5 =	vld [tilespmem:s9+$0x10]  }
0x95: {  	v7 =	vld [tilespmem:s9+$0x11];
	_ =	sdelay $0x2  }
0x96: {  	(xrf2) =	vadd.scan.msk.f32 $0xffff, v4;
	_ =	sdelay $0x1  }
0x97: {  	s10 =	sadd.s32 $0x30, s6  }
0x98: {  	v8 =	vadd.s32 s10, v3;
	v4 =	vmov s10  }
0x99: {  	vm1 =	vgt.u32 v8, $0x18FF;
	vm0 =	vlt.u32 v8, v0  }
0x9a: {  	vm0 =	vmor vm0, vm1;
	vm2 =	vlt.u32 v4, v1  }
0x9b: {  	v5 =	vnsel vm2, $0x7FF, v5;
	v4 =	vnsel vm0, $0x7FF, v7  }
0x9c: {  	vm0 =	vne.s32 v5, v4;
	_ =	sdelay $0x1  }
0x9d: {  	v6 =	vbroadcast v6, $0xF  }
.Ltmp1:
0x9e: {  	v7, _, _ =	vpop (xrf2);
	(pc) =	sbr.rel @p0 .LBB2_3-.Ltmp1, $3  }
0x9f: {  	v6 =	vadd.f32 v7, v6;
	_ =	sdelay $0x1  }
0xa0: {  	[tilespmem:v5+s7+$0x0] =	vst.idx.add.f32.msk vm0, v6;
	v5 =	vsub.f32 $0.0e+00, v6;
	(v2sf) =	vpush v6, $0xF  }
0xa1: {  	s9 =	sadd.s32 $0x40, s9  }
0xa2: {  	_ =	sdelay $0xa  }
0xa3: {  	[tilespmem:v4+s7+$0x0] =	vst.idx.add.f32.msk vm0, v5;
	s5 =	simm.s32 $0x80;
	s6 =	simm.s32 $0x400;
	s26 =	simm.s32 $0x3280  }
0xa4: {  	[spmem:s4] =	stream.strided.scatter [tilespmem:s26], [sflag:$0x4], $0x800, s6, s5, $0x38;
	[tilespmem:$0x4C00] =	vst v63  }
0xa5: {  	s4 =	simm.s32 $0x4;
	s28 =	spop (v2sf)  }
0xa6: {  	_ =	swait.ge [sflag:s4], $0x800  }
0xa7: {  	[sflag:s4] =	ssyncset.done $0x0  }
0xa8: {  	[sflag:s4] =	ssyncadd.s32 $0xFFFFF800  }
0xa9: {  	s29 =	simm.s32 $0x4000;
	s30 =	simm.s32 $0x4300;
	v0 =	vimm.s32 $0x2;
	[bflag:$0x0] =	sbarrier.arrive $0xFFFF  }
0xaa: {  	[tilespmem:s30], [sflag:$0x4] =	stream.strided.gather [spmem:s3], $0x800, s29, s6, $0x38;
	[tilespmem:$0x4C00] =	vst v63  }
0xab: {  	_ =	swait.ge [sflag:s4], $0x800  }
0xac: {  	[sflag:s4] =	ssyncset.done $0x0  }
0xad: {  	s31 =	simm.s32 $0x4B80;
	[sflag:s4] =	ssyncadd.s32 $0xFFFFF800  }
0xae: {  	s4 =	simm.s32 $0x0;
	v0 =	vld.idx.msk [tilespmem:v0+s31+$0x0], $0xffff  }
0xaf: {  	v1 =	vld [tilespmem:s4+$0x4300];
	_ =	sdelay $0x1  }
0xb0: {  	v2 =	vld [tilespmem:s4+$0x4380];
	_ =	sdelay $0x1  }
0xb1: {  	v3 =	vld [tilespmem:s4+$0x4400]  }
0xb2: {  	v1 =	vadd.f32 v1, v0  }
0xb3: {  	v4 =	vld [tilespmem:s4+$0x4480]  }
0xb4: {  	v1 =	vadd.f32 v2, v1  }
0xb5: {  	v2 =	vld [tilespmem:s4+$0x4500]  }
0xb6: {  	v1 =	vadd.f32 v3, v1  }
0xb7: {  	v3 =	vld [tilespmem:s4+$0x4580]  }
0xb8: {  	v1 =	vadd.f32 v4, v1  }
0xb9: {  	v4 =	vld [tilespmem:s4+$0x4600]  }
0xba: {  	v1 =	vadd.f32 v2, v1  }
0xbb: {  	s3 =	simm.s32 $0x10;
	v2 =	vld [tilespmem:s4+$0x4680]  }
0xbc: {  	v5 =	vld [tilespmem:s3+$0x4300];
	v1 =	vadd.f32 v3, v1  }
0xbd: {  	v3 =	vld [tilespmem:s4+$0x4700]  }
0xbe: {  	v6 =	vld [tilespmem:s3+$0x4380];
	v1 =	vadd.f32 v4, v1  }
0xbf: {  	v4 =	vld [tilespmem:s4+$0x4780]  }
0xc0: {  	v7 =	vld [tilespmem:s3+$0x4400];
	v1 =	vadd.f32 v2, v1  }
0xc1: {  	v2 =	vld [tilespmem:s4+$0x4800]  }
0xc2: {  	v8 =	vld [tilespmem:s3+$0x4480];
	v5 =	vadd.f32 v5, v0;
	v1 =	vadd.f32 v3, v1  }
0xc3: {  	v3 =	vld [tilespmem:s4+$0x4880]  }
0xc4: {  	v9 =	vld [tilespmem:s3+$0x4500];
	v5 =	vadd.f32 v6, v5;
	v1 =	vadd.f32 v4, v1  }
0xc5: {  	v6 =	vld [tilespmem:s4+$0x4900]  }
0xc6: {  	v10 =	vld [tilespmem:s3+$0x4580];
	v4 =	vadd.f32 v7, v5;
	v1 =	vadd.f32 v2, v1  }
0xc7: {  	v7 =	vld [tilespmem:s4+$0x4980]  }
0xc8: {  	v2 =	vadd.f32 v8, v4;
	v4 =	vld [tilespmem:s3+$0x4600];
	v3 =	vadd.f32 v3, v1  }
0xc9: {  	v1 =	vld [tilespmem:s4+$0x4A00]  }
0xca: {  	v5 =	vld [tilespmem:s3+$0x4680];
	v8 =	vadd.f32 v9, v2;
	v63 =	vadd.f32 v6, v3  }
0xcb: {  	v2 =	vld [tilespmem:s4+$0x4A80]  }
0xcc: {  	s5 =	simm.s32 $0x20;
	s6 =	simm.s32 $0xC0;
	v6 =	vadd.f32 v10, v8;
	v3 =	vld [tilespmem:s3+$0x4700];
	v7 =	vadd.f32 v7, v63  }
.LBB2_5:
0xcd: {  	p0 =	sne.s32 s6, $0x1C0;
	v8 =	vld [tilespmem:s5+$0x4300]  }
0xce: {  	v4 =	vadd.f32 v4, v6;
	v6 =	vld [tilespmem:s3+$0x4780];
	v1 =	vadd.f32 v1, v7  }
0xcf: {  	v7 =	vld [tilespmem:s5+$0x4380]  }
0xd0: {  	v4 =	vadd.f32 v5, v4;
	v5 =	vld [tilespmem:s3+$0x4800];
	v1 =	vadd.f32 v2, v1  }
0xd1: {  	v2 =	vld [tilespmem:s5+$0x4400]  }
0xd2: {  	v8 =	vadd.f32 v8, v0;
	v3 =	vadd.f32 v3, v4;
	v4 =	vld [tilespmem:s3+$0x4880];
	[tilespmem:s4+$0x4B00] =	vst v1;
	s4 =	smov.u32 s3;
	s3 =	smov.u32 s5  }
0xd3: {  	v1 =	vld [tilespmem:s3+$0x4480]  }
0xd4: {  	v7 =	vadd.f32 v7, v8;
	v3 =	vadd.f32 v6, v3;
	v6 =	vld [tilespmem:s4+$0x4900]  }
0xd5: {  	v8 =	vld [tilespmem:s3+$0x4500]  }
0xd6: {  	v2 =	vadd.f32 v2, v7;
	v3 =	vadd.f32 v5, v3;
	v7 =	vld [tilespmem:s4+$0x4980]  }
0xd7: {  	v9 =	vld [tilespmem:s3+$0x4580]  }
.Ltmp2:
0xd8: {  	v2 =	vadd.f32 v1, v2;
	v3 =	vadd.f32 v4, v3;
	v1 =	vld [tilespmem:s4+$0x4A00];
	(pc) =	sbr.rel @p0 .LBB2_5-.Ltmp2, $4  }
0xd9: {  	v4 =	vld [tilespmem:s3+$0x4600]  }
0xda: {  	v8 =	vadd.f32 v8, v2;
	v10 =	vadd.f32 v6, v3;
	v2 =	vld [tilespmem:s4+$0x4A80]  }
0xdb: {  	v5 =	vld [tilespmem:s3+$0x4680]  }
0xdc: {  	s5 =	sshra.s32 s6, $0x2;
	s6 =	sadd.s32 $0x40, s6;
	v6 =	vadd.f32 v9, v8;
	v3 =	vld [tilespmem:s3+$0x4700];
	v7 =	vadd.f32 v7, v10  }
0xdd: {  	v8 =	vld [tilespmem:s5+$0x4300]  }
0xde: {  	v9 =	vld [tilespmem:s3+$0x4780];
	v1 =	vadd.f32 v1, v7  }
0xdf: {  	v46 =	vld [tilespmem:s5+$0x4380]  }
0xe0: {  	v10 =	vld [tilespmem:s3+$0x4800];
	v4 =	vadd.f32 v4, v6;
	v1 =	vadd.f32 v2, v1  }
0xe1: {  	v47 =	vld [tilespmem:s5+$0x4400]  }
0xe2: {  	v48 =	vld [tilespmem:s3+$0x4880];
	v4 =	vadd.f32 v5, v4;
	v0 =	vadd.f32 v8, v0;
	[tilespmem:s4+$0x4B00] =	vst v1  }
0xe3: {  	v1 =	vld [tilespmem:s5+$0x4480]  }
0xe4: {  	v3 =	vadd.f32 v3, v4;
	v0 =	vadd.f32 v46, v0  }
0xe5: {  	v49 =	vld [tilespmem:s5+$0x4500]  }
0xe6: {  	v50 =	vld [tilespmem:s3+$0x4900];
	v3 =	vadd.f32 v9, v3;
	v0 =	vadd.f32 v47, v0  }
0xe7: {  	v51 =	vld [tilespmem:s5+$0x4580]  }
0xe8: {  	v52 =	vld [tilespmem:s3+$0x4980];
	v3 =	vadd.f32 v10, v3;
	v0 =	vadd.f32 v1, v0  }
0xe9: {  	v53 =	vld [tilespmem:s5+$0x4600]  }
0xea: {  	v54 =	vld [tilespmem:s3+$0x4A00];
	v3 =	vadd.f32 v48, v3;
	v0 =	vadd.f32 v49, v0  }
0xeb: {  	v55 =	vld [tilespmem:s5+$0x4680]  }
0xec: {  	v56 =	vld [tilespmem:s3+$0x4A80];
	v3 =	vadd.f32 v50, v3;
	v0 =	vadd.f32 v51, v0  }
0xed: {  	v57 =	vld [tilespmem:s5+$0x4700]  }
0xee: {  	v3 =	vadd.f32 v52, v3;
	v0 =	vadd.f32 v53, v0  }
0xef: {  	v58 =	vld [tilespmem:s5+$0x4780]  }
0xf0: {  	v3 =	vadd.f32 v54, v3;
	v0 =	vadd.f32 v55, v0  }
0xf1: {  	v59 =	vld [tilespmem:s5+$0x4800]  }
0xf2: {  	v3 =	vadd.f32 v56, v3;
	v0 =	vadd.f32 v57, v0  }
0xf3: {  	v60 =	vld [tilespmem:s5+$0x4880]  }
0xf4: {  	[tilespmem:s3+$0x4B00] =	vst v3;
	v0 =	vadd.f32 v58, v0  }
0xf5: {  	v61 =	vld [tilespmem:s5+$0x4900]  }
0xf6: {  	v0 =	vadd.f32 v59, v0  }
0xf7: {  	v3 =	vld [tilespmem:s5+$0x4980]  }
0xf8: {  	v0 =	vadd.f32 v60, v0  }
0xf9: {  	v62 =	vld [tilespmem:s5+$0x4A00]  }
0xfa: {  	v0 =	vadd.f32 v61, v0  }
0xfb: {  	v63 =	vld [tilespmem:s5+$0x4A80]  }
0xfc: {  	v0 =	vadd.f32 v3, v0;
	_ =	sdelay $0x1  }
0xfd: {  	v0 =	vadd.f32 v62, v0;
	_ =	sdelay $0x1  }
0xfe: {  	v0 =	vadd.f32 v63, v0;
	_ =	sdelay $0x1  }
0xff: {  	s29 =	simm.s32 $0x0;
	s30 =	simm.s32 $0x4B00;
	s31 =	simm.s32 $0x4;
	[tilespmem:s5+$0x4B00] =	vst v0  }
0x100: {  	[hbm4b:s2+s29] =	stream.linear.scatter [tilespmem:s30], [sflag:$0x4], $0x80, $0x38;
	[tilespmem:$0x4C00] =	vst v63  }
0x101: {  	_ =	swait.ge [sflag:s31], $0x80  }
0x102: {  	[sflag:s31] =	ssyncset.done $0x0  }
0x103: {  	[sflag:s31] =	ssyncadd.s32 $0xFFFFFF80  }
0x104: {  	_ =	sfence.sel $0x180000  }
0x105: {  	[bflag:$0x0] =	sbarrier.arrive $0xFFFF  }
0x106: {  	p0 =	sne.s32 s0, $0x0;
	_ =	strace $0x90000047  }
0x107: {  	s0 =	sadd.s32 @!p0 $0x100000, s1;
	[bflag:$0x2] =	sbarrier.arrive $0xFFFF  }
0x108: {  	[sflag:s0] =	ssyncadd.tile.s32 @!p0 $0x1;
	_ =	shalt  }
.Lfunc_end2:
_tile_overlayer_lowered:
.L_overlay_start_2:
0x109: {  	(tag) =	ssettag $0x2  }
0x10a: {  	s0 =	rddreg [dreg:$0x0];
	s2 =	stileid.u32  }
0x10b: {  	s1 =	rddreg [dreg:$0x1];
	p0 =	sne.s32 s2, $0x0  }
0x10c: {  	s3 =	rddreg [dreg:$0x2];
	[bflag:$0x3] =	sbarrier.arrive $0xFFFF;
	s2 =	simm.s32 @!p0 $0x1C04  }
0x10d: {  	[timem:s3], [sflag:s2] =	dma.local @!p0 [hbm:s0], s1  }
0x10e: {  	s0 =	simm.s32 @!p0 $0x4  }
0x10f: {  	_ =	swait.ge @!p0 [sflag:s0], s1  }
0x110: {  	s1 =	ssub.s32 @!p0 $0x0, s1;
	[sflag:s0] =	ssyncset.done @!p0 $0x0  }
0x111: {  	[sflag:s0] =	ssyncadd.s32 @!p0 s1  }
0x112: {  	[bflag:$0x3] =	sbarrier.arrive $0xFFFF  }
0x113: {  	_ =	shalt  }

</sc_bundles>
